<compile_context>
chip_gen: v7x
topology: tpu7x:2x2x1
jax: 0.10.2.dev20260603
libtpu: 0.0.44.dev20260713+nightly
codegen_flags: <defaults>
</compile_context>

<pallas_src>
import functools

import jax
import jax.numpy as jnp
from jax import lax
from jax.experimental import pallas as pl
from jax.experimental.pallas import tpu as pltpu
from jax.experimental.pallas import tpu_sc as plsc

_NC = 2
_NS = 16
_NW = _NC * _NS

_L = 16
_CH = 4096


@functools.partial(jax.jit, static_argnums=(2,))
def _sc_row_gather(tab, idx, rows_per_w):
    r_total, v = tab.shape
    f_total, b = idx.shape
    d = r_total // f_total
    n_ch = b // _CH
    mesh = plsc.VectorSubcoreMesh(core_axis_name="c", subcore_axis_name="s")

    @functools.partial(
        pl.kernel,
        out_type=jax.ShapeDtypeStruct((r_total, b), jnp.float32),
        mesh=mesh,
        scratch_types=[
            pltpu.VMEM((v,), jnp.float32),
            pltpu.VMEM((b,), jnp.int32),
            pltpu.VMEM((2, _CH), jnp.float32),
            pltpu.SemaphoreType.DMA,
            pltpu.SemaphoreType.DMA,
        ],
        compiler_params=pltpu.CompilerParams(needs_layout_passes=False),
    )
    def k(tab_hbm, idx_hbm, out_hbm, row_v, idx_v, out_v, sem_o0, sem_o1):
        wid = lax.axis_index("s") * _NC + lax.axis_index("c")
        row0 = wid * rows_per_w
        sems = [sem_o0, sem_o1]

        def drain_out(p):
            pltpu.make_async_copy(
                out_hbm.at[row0, pl.ds(0, _CH)], out_v.at[p], sems[p]
            ).wait()

        @pl.loop(0, rows_per_w, init_carry=jnp.int32(-1))
        def _row(kk, prev_f):
            r = row0 + kk
            f = r // d

            @pl.when(f != prev_f)
            def _():
                pltpu.sync_copy(idx_hbm.at[f], idx_v)

            pltpu.sync_copy(tab_hbm.at[r], row_v)

            for c in range(n_ch):
                @pl.when(kk * n_ch + c >= 2)
                def _():
                    drain_out(c % 2)

                @plsc.parallel_loop(0, _CH, step=_L, unroll=32)
                def _vec(i):
                    iv = idx_v[pl.ds(c * _CH + i, _L)]
                    out_v[c % 2, pl.ds(i, _L)] = plsc.load_gather(row_v, [iv])

                pltpu.async_copy(
                    out_v.at[c % 2],
                    out_hbm.at[r, pl.ds(c * _CH, _CH)],
                    sems[c % 2],
                )
            return f

        drain_out(0)
        drain_out(1)

    return k(tab, idx)


def kernel(input, tables):
    f, v, d = tables.shape
    b = input.shape[0]
    r_total = f * d
    assert r_total % _NW == 0 and b % _CH == 0
    tab_rows = tables.transpose(0, 2, 1).reshape(r_total, v)
    idx_t = input.astype(jnp.int32).T
    out = _sc_row_gather(tab_rows, idx_t, r_total // _NW)
    return out.T.reshape(b, r_total)

# --- scband reference (transcript-rebuilt; emitter-appended) ---
"""Pipeline reference for scband-multi-embedding-90589450207629 (READ-ONLY COPY).

The authoritative reference and input builder live on the scoring server;
editing this copy changes nothing except your own understanding.
"""

import jax, jax.numpy as jnp
import numpy as np

NUM_FIELDS = 26
VOCAB = 100000
EMBED_DIM = 32
BATCH = 16384


def setup_inputs(seed: int = 0) -> dict:
    key = jax.random.key(seed)
    k_idx, k_tab = jax.random.split(key)
    indices = jax.random.randint(k_idx, (BATCH, NUM_FIELDS), 0, VOCAB, dtype=jnp.int64 if jax.config.jax_enable_x64 else jnp.int32)
    # One embedding table per field, stacked: [NUM_FIELDS, VOCAB, EMBED_DIM]
    tables = jax.random.normal(k_tab, (NUM_FIELDS, VOCAB, EMBED_DIM), dtype=jnp.float32) * 0.02
    return {"input": indices, "tables": tables}


def reference(input, tables):
    # MultiEmbedding.forward: for each field i, look up input[:, i] in table i, then concat along dim 1.
    # tables: [F, V, D]; input: [B, F]
    # per-field gather -> [B, F, D]
    gathered = jax.vmap(lambda tab, idx: jnp.take(tab, idx, axis=0), in_axes=(0, 1), out_axes=1)(tables, input)
    B = input.shape[0]
    output = gathered.reshape(B, NUM_FIELDS * EMBED_DIM)
    return output


if False:  # reference __main__ guard neutralized (emitter)
    inp = setup_inputs()
    out = reference(**inp)
    print(out.shape)

if __name__ == "__main__":
    import jax
    _d = setup_inputs()
    print(jax.jit(kernel)(*tuple(_d.values())))

</pallas_src>

<mosaic_0001>
#map = affine_map<(d0, d1) -> (0, 0)>
module attributes {stable_mosaic.version = 14 : i64} {
  func.func @k(%arg0: i32, %arg1: i32, %arg2: memref<832x100000xf32, #tpu.memory_space<hbm>>, %arg3: memref<26x16384xi32, #tpu.memory_space<hbm>>, %arg4: memref<832x16384xf32, #tpu.memory_space<hbm>>, %arg5: memref<100000xf32, #tpu.memory_space<vmem>>, %arg6: memref<16384xi32, #tpu.memory_space<vmem>>, %arg7: memref<2x4096xf32, #tpu.memory_space<vmem>>, %arg8: memref<!tpu.dma_semaphore, #tpu.memory_space<semaphore_mem>>, %arg9: memref<!tpu.dma_semaphore, #tpu.memory_space<semaphore_mem>>) attributes {dimension_semantics = [#tpu.dimension_semantics<core_parallel>, #tpu.dimension_semantics<subcore_parallel>], iteration_bounds = array<i64: 2, 16>, scalar_prefetch = 0 : i64, scratch_operands = 5 : i64, tpu.core_type = #tpu.core_type<sc_vector_subcore>, window_params = [{transform_indices = #map}, {transform_indices = #map}, {transform_indices = #map}]} {
    %mul3A = arith.constant 2 : i32
    %mul3A_0 = arith.muli %arg1, %mul3A : i32
    %add3A = arith.addi %mul3A_0, %arg0 : i32
    %mul3A_1 = arith.constant 26 : i32
    %mul3A_2 = arith.muli %add3A, %mul3A_1 : i32
    %scan3A = arith.constant -1 : i32
    %scan3A_3 = arith.constant 0 : i32
    %scan3A_4 = arith.constant 26 : i32
    %scan3A_5 = arith.addi %scan3A_3, %scan3A_4 : i32
    %scan3A_6 = arith.constant 1 : i32
    %scan3A_7 = scf.for %scan3A_34 = %scan3A_3 to %scan3A_5 step %scan3A_6 iter_args(%scan3A_35 = %scan3A) -> (i32)  : i32 {
      %mul3A_36 = arith.constant 1 : i32
      %mul3A_37 = arith.muli %scan3A_34, %mul3A_36 : i32
      %add3A_38 = arith.constant 0 : i32
      %add3A_39 = arith.addi %add3A_38, %mul3A_37 : i32
      %add3A_40 = arith.addi %mul3A_2, %add3A_39 : i32
      %jit3A = arith.constant 32 : i32
      %div3A = arith.divsi %add3A_40, %jit3A : i32
      %sign3A = arith.constant 0 : i32
      %sign3A_41 = arith.cmpi sgt, %add3A_40, %sign3A : i32
      %sign3A_42 = arith.extui %sign3A_41 : i1 to i32
      %sign3A_43 = arith.constant 0 : i32
      %sign3A_44 = arith.cmpi slt, %add3A_40, %sign3A_43 : i32
      %sign3A_45 = arith.extui %sign3A_44 : i1 to i32
      %sign3A_46 = arith.subi %sign3A_42, %sign3A_45 : i32
      %sign3A_47 = arith.constant 0 : i32
      %sign3A_48 = arith.cmpi sgt, %jit3A, %sign3A_47 : i32
      %sign3A_49 = arith.extui %sign3A_48 : i1 to i32
      %sign3A_50 = arith.constant 0 : i32
      %sign3A_51 = arith.cmpi slt, %jit3A, %sign3A_50 : i32
      %sign3A_52 = arith.extui %sign3A_51 : i1 to i32
      %sign3A_53 = arith.subi %sign3A_49, %sign3A_52 : i32
      %ne3A = arith.cmpi ne, %sign3A_46, %sign3A_53 : i32
      %rem3A = arith.remsi %add3A_40, %jit3A : i32
      %ne3A_54 = arith.constant 0 : i32
      %ne3A_55 = arith.cmpi ne, %rem3A, %ne3A_54 : i32
      %and3A = arith.andi %ne3A, %ne3A_55 : i1
      %sub3A = arith.constant 1 : i32
      %sub3A_56 = arith.subi %div3A, %sub3A : i32
      %select_n3A = arith.select %and3A, %sub3A_56, %div3A : i32
      %ne3A_57 = arith.cmpi ne, %select_n3A, %scan3A_35 : i32
      %convert_element_type3A = arith.extui %ne3A_57 : i1 to i32
      %cond3A = arith.constant 0 : i32
      %cond3A_58 = arith.cmpi ne, %convert_element_type3A, %cond3A : i32
      scf.if %cond3A_58 {
        "tpu.region"() ({
          %run_scoped3A = tpu.sem_alloc : memref<!tpu.dma_semaphore, #tpu.memory_space<semaphore_mem>>
          %dma_start3A_156 = arith.constant 0 : i32
          %dma_start3A_157 = tpu.memref_slice %arg3[%select_n3A, %dma_start3A_156] : memref<26x16384xi32, #tpu.memory_space<hbm>> -> memref<1x16384xi32, #tpu.memory_space<hbm>>
          %dma_start3A_158 = tpu.memref_squeeze %dma_start3A_157 : memref<1x16384xi32, #tpu.memory_space<hbm>> -> memref<16384xi32, #tpu.memory_space<hbm>>
          %dma_start3A_159 = arith.constant 0 : i32
          %dma_start3A_160 = tpu.memref_slice %arg3[%select_n3A, %dma_start3A_159] : memref<26x16384xi32, #tpu.memory_space<hbm>> -> memref<1x16384xi32, #tpu.memory_space<hbm>>
          %dma_start3A_161 = tpu.memref_squeeze %dma_start3A_160 : memref<1x16384xi32, #tpu.memory_space<hbm>> -> memref<16384xi32, #tpu.memory_space<hbm>>
          tpu.enqueue_dma source(%dma_start3A_161 : memref<16384xi32, #tpu.memory_space<hbm>>) target(%arg6 : memref<16384xi32, #tpu.memory_space<vmem>>) target_semaphore(%run_scoped3A : memref<!tpu.dma_semaphore, #tpu.memory_space<semaphore_mem>>)
          %dma_wait3A_162 = arith.constant 0 : i32
          %dma_wait3A_163 = tpu.memref_slice %arg3[%select_n3A, %dma_wait3A_162] : memref<26x16384xi32, #tpu.memory_space<hbm>> -> memref<1x16384xi32, #tpu.memory_space<hbm>>
          %dma_wait3A_164 = tpu.memref_squeeze %dma_wait3A_163 : memref<1x16384xi32, #tpu.memory_space<hbm>> -> memref<16384xi32, #tpu.memory_space<hbm>>
          %dma_wait3A_165 = arith.constant 0 : i32
          %dma_wait3A_166 = tpu.memref_slice %arg3[%select_n3A, %dma_wait3A_165] : memref<26x16384xi32, #tpu.memory_space<hbm>> -> memref<1x16384xi32, #tpu.memory_space<hbm>>
          %dma_wait3A_167 = tpu.memref_squeeze %dma_wait3A_166 : memref<1x16384xi32, #tpu.memory_space<hbm>> -> memref<16384xi32, #tpu.memory_space<hbm>>
          tpu.wait_dma2 semaphore(%run_scoped3A : memref<!tpu.dma_semaphore, #tpu.memory_space<semaphore_mem>>) src(%dma_wait3A_167 : memref<16384xi32, #tpu.memory_space<hbm>>) dst(%arg6 : memref<16384xi32, #tpu.memory_space<vmem>>)
          tpu.yield
        }) : () -> ()
      } else {
      }
      "tpu.region"() ({
        %run_scoped3A = tpu.sem_alloc : memref<!tpu.dma_semaphore, #tpu.memory_space<semaphore_mem>>
        %dma_start3A_156 = arith.constant 0 : i32
        %dma_start3A_157 = tpu.memref_slice %arg2[%add3A_40, %dma_start3A_156] : memref<832x100000xf32, #tpu.memory_space<hbm>> -> memref<1x100000xf32, #tpu.memory_space<hbm>>
        %dma_start3A_158 = tpu.memref_squeeze %dma_start3A_157 : memref<1x100000xf32, #tpu.memory_space<hbm>> -> memref<100000xf32, #tpu.memory_space<hbm>>
        %dma_start3A_159 = arith.constant 0 : i32
        %dma_start3A_160 = tpu.memref_slice %arg2[%add3A_40, %dma_start3A_159] : memref<832x100000xf32, #tpu.memory_space<hbm>> -> memref<1x100000xf32, #tpu.memory_space<hbm>>
        %dma_start3A_161 = tpu.memref_squeeze %dma_start3A_160 : memref<1x100000xf32, #tpu.memory_space<hbm>> -> memref<100000xf32, #tpu.memory_space<hbm>>
        tpu.enqueue_dma source(%dma_start3A_161 : memref<100000xf32, #tpu.memory_space<hbm>>) target(%arg5 : memref<100000xf32, #tpu.memory_space<vmem>>) target_semaphore(%run_scoped3A : memref<!tpu.dma_semaphore, #tpu.memory_space<semaphore_mem>>)
        %dma_wait3A_162 = arith.constant 0 : i32
        %dma_wait3A_163 = tpu.memref_slice %arg2[%add3A_40, %dma_wait3A_162] : memref<832x100000xf32, #tpu.memory_space<hbm>> -> memref<1x100000xf32, #tpu.memory_space<hbm>>
        %dma_wait3A_164 = tpu.memref_squeeze %dma_wait3A_163 : memref<1x100000xf32, #tpu.memory_space<hbm>> -> memref<100000xf32, #tpu.memory_space<hbm>>
        %dma_wait3A_165 = arith.constant 0 : i32
        %dma_wait3A_166 = tpu.memref_slice %arg2[%add3A_40, %dma_wait3A_165] : memref<832x100000xf32, #tpu.memory_space<hbm>> -> memref<1x100000xf32, #tpu.memory_space<hbm>>
        %dma_wait3A_167 = tpu.memref_squeeze %dma_wait3A_166 : memref<1x100000xf32, #tpu.memory_space<hbm>> -> memref<100000xf32, #tpu.memory_space<hbm>>
        tpu.wait_dma2 semaphore(%run_scoped3A : memref<!tpu.dma_semaphore, #tpu.memory_space<semaphore_mem>>) src(%dma_wait3A_167 : memref<100000xf32, #tpu.memory_space<hbm>>) dst(%arg5 : memref<100000xf32, #tpu.memory_space<vmem>>)
        tpu.yield
      }) : () -> ()
      %mul3A_59 = arith.constant 4 : i32
      %mul3A_60 = arith.muli %add3A_39, %mul3A_59 : i32
      %add3A_61 = arith.constant 0 : i32
      %add3A_62 = arith.addi %mul3A_60, %add3A_61 : i32
      %ge3A = arith.constant 2 : i32
      %ge3A_63 = arith.cmpi sge, %add3A_62, %ge3A : i32
      %convert_element_type3A_64 = arith.extui %ge3A_63 : i1 to i32
      %cond3A_65 = arith.constant 0 : i32
      %cond3A_66 = arith.cmpi ne, %convert_element_type3A_64, %cond3A_65 : i32
      scf.if %cond3A_66 {
        %dma_wait3A_156 = arith.constant 0 : i32
        %dma_wait3A_157 = arith.constant 0 : i32
        %dma_wait3A_158 = tpu.memref_slice %arg7[%dma_wait3A_156, %dma_wait3A_157] : memref<2x4096xf32, #tpu.memory_space<vmem>> -> memref<1x4096xf32, #tpu.memory_space<vmem>>
        %dma_wait3A_159 = tpu.memref_squeeze %dma_wait3A_158 : memref<1x4096xf32, #tpu.memory_space<vmem>> -> memref<4096xf32, #tpu.memory_space<vmem>>
        %dma_wait3A_160 = arith.constant 0 : i32
        %dma_wait3A_161 = tpu.memref_slice %arg4[%mul3A_2, %dma_wait3A_160] : memref<832x16384xf32, #tpu.memory_space<hbm>> -> memref<1x4096xf32, #tpu.memory_space<hbm>>
        %dma_wait3A_162 = tpu.memref_squeeze %dma_wait3A_161 : memref<1x4096xf32, #tpu.memory_space<hbm>> -> memref<4096xf32, #tpu.memory_space<hbm>>
        %dma_wait3A_163 = arith.constant 0 : i32
        %dma_wait3A_164 = tpu.memref_slice %arg7[%dma_wait3A_156, %dma_wait3A_163] : memref<2x4096xf32, #tpu.memory_space<vmem>> -> memref<1x4096xf32, #tpu.memory_space<vmem>>
        %dma_wait3A_165 = tpu.memref_squeeze %dma_wait3A_164 : memref<1x4096xf32, #tpu.memory_space<vmem>> -> memref<4096xf32, #tpu.memory_space<vmem>>
        %dma_wait3A_166 = arith.constant 0 : i32
        %dma_wait3A_167 = tpu.memref_slice %arg4[%mul3A_2, %dma_wait3A_166] : memref<832x16384xf32, #tpu.memory_space<hbm>> -> memref<1x4096xf32, #tpu.memory_space<hbm>>
        %dma_wait3A_168 = tpu.memref_squeeze %dma_wait3A_167 : memref<1x4096xf32, #tpu.memory_space<hbm>> -> memref<4096xf32, #tpu.memory_space<hbm>>
        tpu.wait_dma2 semaphore(%arg8 : memref<!tpu.dma_semaphore, #tpu.memory_space<semaphore_mem>>) src(%dma_wait3A_168 : memref<4096xf32, #tpu.memory_space<hbm>>) dst(%dma_wait3A_165 : memref<4096xf32, #tpu.memory_space<vmem>>)
      } else {
      }
      %parallel_loop3A = arith.constant 0 : i32
      %parallel_loop3A_67 = arith.constant 4096 : i32
      %parallel_loop3A_68 = arith.constant 16 : i32
      scf.for %parallel_loop3A_156 = %parallel_loop3A to %parallel_loop3A_67 step %parallel_loop3A_68  : i32 {
        %parallel_loop3A_157 = arith.constant 0 : i32
        %parallel_loop3A_158 = arith.addi %parallel_loop3A_157, %parallel_loop3A_156 : i32
        %parallel_loop3A_159 = arith.index_cast %parallel_loop3A_158 : i32 to index
        %parallel_loop3A_160 = tpu.vector_load %arg6[%parallel_loop3A_159] {strides = array<i32>} : memref<16384xi32, #tpu.memory_space<vmem>>, vector<16xi32>,
        %parallel_loop3A_161 = tpu.vector_load_idx %arg5[%parallel_loop3A_160] : memref<100000xf32, #tpu.memory_space<vmem>>[vector<16xi32>], vector<16xf32>,
        %parallel_loop3A_162 = arith.constant 0 : i32
        %parallel_loop3A_163 = arith.index_cast %parallel_loop3A_162 : i32 to index
        %parallel_loop3A_164 = arith.index_cast %parallel_loop3A_156 : i32 to index
        %parallel_loop3A_165 = tpu.vector_load %arg7[%parallel_loop3A_163, %parallel_loop3A_164] {strides = array<i32>} : memref<2x4096xf32, #tpu.memory_space<vmem>>, vector<16xf32>,
        tpu.vector_store %arg7[%parallel_loop3A_163, %parallel_loop3A_164], %parallel_loop3A_161 {strides = array<i32>} : memref<2x4096xf32, #tpu.memory_space<vmem>>, vector<16xf32>,
      } {sc.loop_unroll_factor = 32 : i64, sc.parallel_access}
      %dma_start3A = arith.constant 0 : i32
      %dma_start3A_69 = arith.constant 0 : i32
      %dma_start3A_70 = tpu.memref_slice %arg7[%dma_start3A, %dma_start3A_69] : memref<2x4096xf32, #tpu.memory_space<vmem>> -> memref<1x4096xf32, #tpu.memory_space<vmem>>
      %dma_start3A_71 = tpu.memref_squeeze %dma_start3A_70 : memref<1x4096xf32, #tpu.memory_space<vmem>> -> memref<4096xf32, #tpu.memory_space<vmem>>
      %dma_start3A_72 = arith.constant 0 : i32
      %dma_start3A_73 = tpu.memref_slice %arg4[%add3A_40, %dma_start3A_72] : memref<832x16384xf32, #tpu.memory_space<hbm>> -> memref<1x4096xf32, #tpu.memory_space<hbm>>
      %dma_start3A_74 = tpu.memref_squeeze %dma_start3A_73 : memref<1x4096xf32, #tpu.memory_space<hbm>> -> memref<4096xf32, #tpu.memory_space<hbm>>
      %dma_start3A_75 = arith.constant 0 : i32
      %dma_start3A_76 = tpu.memref_slice %arg4[%add3A_40, %dma_start3A_75] : memref<832x16384xf32, #tpu.memory_space<hbm>> -> memref<1x4096xf32, #tpu.memory_space<hbm>>
      %dma_start3A_77 = tpu.memref_squeeze %dma_start3A_76 : memref<1x4096xf32, #tpu.memory_space<hbm>> -> memref<4096xf32, #tpu.memory_space<hbm>>
      %dma_start3A_78 = arith.constant 0 : i32
      %dma_start3A_79 = tpu.memref_slice %arg7[%dma_start3A, %dma_start3A_78] : memref<2x4096xf32, #tpu.memory_space<vmem>> -> memref<1x4096xf32, #tpu.memory_space<vmem>>
      %dma_start3A_80 = tpu.memref_squeeze %dma_start3A_79 : memref<1x4096xf32, #tpu.memory_space<vmem>> -> memref<4096xf32, #tpu.memory_space<vmem>>
      tpu.enqueue_dma source(%dma_start3A_80 : memref<4096xf32, #tpu.memory_space<vmem>>) target(%dma_start3A_77 : memref<4096xf32, #tpu.memory_space<hbm>>) target_semaphore(%arg8 : memref<!tpu.dma_semaphore, #tpu.memory_space<semaphore_mem>>)
      %mul3A_81 = arith.constant 4 : i32
      %mul3A_82 = arith.muli %add3A_39, %mul3A_81 : i32
      %add3A_83 = arith.constant 1 : i32
      %add3A_84 = arith.addi %mul3A_82, %add3A_83 : i32
      %ge3A_85 = arith.constant 2 : i32
      %ge3A_86 = arith.cmpi sge, %add3A_84, %ge3A_85 : i32
      %convert_element_type3A_87 = arith.extui %ge3A_86 : i1 to i32
      %cond3A_88 = arith.constant 0 : i32
      %cond3A_89 = arith.cmpi ne, %convert_element_type3A_87, %cond3A_88 : i32
      scf.if %cond3A_89 {
        %dma_wait3A_156 = arith.constant 1 : i32
        %dma_wait3A_157 = arith.constant 0 : i32
        %dma_wait3A_158 = tpu.memref_slice %arg7[%dma_wait3A_156, %dma_wait3A_157] : memref<2x4096xf32, #tpu.memory_space<vmem>> -> memref<1x4096xf32, #tpu.memory_space<vmem>>
        %dma_wait3A_159 = tpu.memref_squeeze %dma_wait3A_158 : memref<1x4096xf32, #tpu.memory_space<vmem>> -> memref<4096xf32, #tpu.memory_space<vmem>>
        %dma_wait3A_160 = arith.constant 0 : i32
        %dma_wait3A_161 = tpu.memref_slice %arg4[%mul3A_2, %dma_wait3A_160] : memref<832x16384xf32, #tpu.memory_space<hbm>> -> memref<1x4096xf32, #tpu.memory_space<hbm>>
        %dma_wait3A_162 = tpu.memref_squeeze %dma_wait3A_161 : memref<1x4096xf32, #tpu.memory_space<hbm>> -> memref<4096xf32, #tpu.memory_space<hbm>>
        %dma_wait3A_163 = arith.constant 0 : i32
        %dma_wait3A_164 = tpu.memref_slice %arg7[%dma_wait3A_156, %dma_wait3A_163] : memref<2x4096xf32, #tpu.memory_space<vmem>> -> memref<1x4096xf32, #tpu.memory_space<vmem>>
        %dma_wait3A_165 = tpu.memref_squeeze %dma_wait3A_164 : memref<1x4096xf32, #tpu.memory_space<vmem>> -> memref<4096xf32, #tpu.memory_space<vmem>>
        %dma_wait3A_166 = arith.constant 0 : i32
        %dma_wait3A_167 = tpu.memref_slice %arg4[%mul3A_2, %dma_wait3A_166] : memref<832x16384xf32, #tpu.memory_space<hbm>> -> memref<1x4096xf32, #tpu.memory_space<hbm>>
        %dma_wait3A_168 = tpu.memref_squeeze %dma_wait3A_167 : memref<1x4096xf32, #tpu.memory_space<hbm>> -> memref<4096xf32, #tpu.memory_space<hbm>>
        tpu.wait_dma2 semaphore(%arg9 : memref<!tpu.dma_semaphore, #tpu.memory_space<semaphore_mem>>) src(%dma_wait3A_168 : memref<4096xf32, #tpu.memory_space<hbm>>) dst(%dma_wait3A_165 : memref<4096xf32, #tpu.memory_space<vmem>>)
      } else {
      }
      %parallel_loop3A_90 = arith.constant 0 : i32
      %parallel_loop3A_91 = arith.constant 4096 : i32
      %parallel_loop3A_92 = arith.constant 16 : i32
      scf.for %parallel_loop3A_156 = %parallel_loop3A_90 to %parallel_loop3A_91 step %parallel_loop3A_92  : i32 {
        %parallel_loop3A_157 = arith.constant 4096 : i32
        %parallel_loop3A_158 = arith.addi %parallel_loop3A_157, %parallel_loop3A_156 : i32
        %parallel_loop3A_159 = arith.index_cast %parallel_loop3A_158 : i32 to index
        %parallel_loop3A_160 = tpu.vector_load %arg6[%parallel_loop3A_159] {strides = array<i32>} : memref<16384xi32, #tpu.memory_space<vmem>>, vector<16xi32>,
        %parallel_loop3A_161 = tpu.vector_load_idx %arg5[%parallel_loop3A_160] : memref<100000xf32, #tpu.memory_space<vmem>>[vector<16xi32>], vector<16xf32>,
        %parallel_loop3A_162 = arith.constant 1 : i32
        %parallel_loop3A_163 = arith.index_cast %parallel_loop3A_162 : i32 to index
        %parallel_loop3A_164 = arith.index_cast %parallel_loop3A_156 : i32 to index
        %parallel_loop3A_165 = tpu.vector_load %arg7[%parallel_loop3A_163, %parallel_loop3A_164] {strides = array<i32>} : memref<2x4096xf32, #tpu.memory_space<vmem>>, vector<16xf32>,
        tpu.vector_store %arg7[%parallel_loop3A_163, %parallel_loop3A_164], %parallel_loop3A_161 {strides = array<i32>} : memref<2x4096xf32, #tpu.memory_space<vmem>>, vector<16xf32>,
      } {sc.loop_unroll_factor = 32 : i64, sc.parallel_access}
      %dma_start3A_93 = arith.constant 1 : i32
      %dma_start3A_94 = arith.constant 0 : i32
      %dma_start3A_95 = tpu.memref_slice %arg7[%dma_start3A_93, %dma_start3A_94] : memref<2x4096xf32, #tpu.memory_space<vmem>> -> memref<1x4096xf32, #tpu.memory_space<vmem>>
      %dma_start3A_96 = tpu.memref_squeeze %dma_start3A_95 : memref<1x4096xf32, #tpu.memory_space<vmem>> -> memref<4096xf32, #tpu.memory_space<vmem>>
      %dma_start3A_97 = arith.constant 4096 : i32
      %dma_start3A_98 = tpu.memref_slice %arg4[%add3A_40, %dma_start3A_97] : memref<832x16384xf32, #tpu.memory_space<hbm>> -> memref<1x4096xf32, #tpu.memory_space<hbm>>
      %dma_start3A_99 = tpu.memref_squeeze %dma_start3A_98 : memref<1x4096xf32, #tpu.memory_space<hbm>> -> memref<4096xf32, #tpu.memory_space<hbm>>
      %dma_start3A_100 = arith.constant 4096 : i32
      %dma_start3A_101 = tpu.memref_slice %arg4[%add3A_40, %dma_start3A_100] : memref<832x16384xf32, #tpu.memory_space<hbm>> -> memref<1x4096xf32, #tpu.memory_space<hbm>>
      %dma_start3A_102 = tpu.memref_squeeze %dma_start3A_101 : memref<1x4096xf32, #tpu.memory_space<hbm>> -> memref<4096xf32, #tpu.memory_space<hbm>>
      %dma_start3A_103 = arith.constant 0 : i32
      %dma_start3A_104 = tpu.memref_slice %arg7[%dma_start3A_93, %dma_start3A_103] : memref<2x4096xf32, #tpu.memory_space<vmem>> -> memref<1x4096xf32, #tpu.memory_space<vmem>>
      %dma_start3A_105 = tpu.memref_squeeze %dma_start3A_104 : memref<1x4096xf32, #tpu.memory_space<vmem>> -> memref<4096xf32, #tpu.memory_space<vmem>>
      tpu.enqueue_dma source(%dma_start3A_105 : memref<4096xf32, #tpu.memory_space<vmem>>) target(%dma_start3A_102 : memref<4096xf32, #tpu.memory_space<hbm>>) target_semaphore(%arg9 : memref<!tpu.dma_semaphore, #tpu.memory_space<semaphore_mem>>)
      %mul3A_106 = arith.constant 4 : i32
      %mul3A_107 = arith.muli %add3A_39, %mul3A_106 : i32
      %add3A_108 = arith.constant 2 : i32
      %add3A_109 = arith.addi %mul3A_107, %add3A_108 : i32
      %ge3A_110 = arith.constant 2 : i32
      %ge3A_111 = arith.cmpi sge, %add3A_109, %ge3A_110 : i32
      %convert_element_type3A_112 = arith.extui %ge3A_111 : i1 to i32
      %cond3A_113 = arith.constant 0 : i32
      %cond3A_114 = arith.cmpi ne, %convert_element_type3A_112, %cond3A_113 : i32
      scf.if %cond3A_114 {
        %dma_wait3A_156 = arith.constant 0 : i32
        %dma_wait3A_157 = arith.constant 0 : i32
        %dma_wait3A_158 = tpu.memref_slice %arg7[%dma_wait3A_156, %dma_wait3A_157] : memref<2x4096xf32, #tpu.memory_space<vmem>> -> memref<1x4096xf32, #tpu.memory_space<vmem>>
        %dma_wait3A_159 = tpu.memref_squeeze %dma_wait3A_158 : memref<1x4096xf32, #tpu.memory_space<vmem>> -> memref<4096xf32, #tpu.memory_space<vmem>>
        %dma_wait3A_160 = arith.constant 0 : i32
        %dma_wait3A_161 = tpu.memref_slice %arg4[%mul3A_2, %dma_wait3A_160] : memref<832x16384xf32, #tpu.memory_space<hbm>> -> memref<1x4096xf32, #tpu.memory_space<hbm>>
        %dma_wait3A_162 = tpu.memref_squeeze %dma_wait3A_161 : memref<1x4096xf32, #tpu.memory_space<hbm>> -> memref<4096xf32, #tpu.memory_space<hbm>>
        %dma_wait3A_163 = arith.constant 0 : i32
        %dma_wait3A_164 = tpu.memref_slice %arg7[%dma_wait3A_156, %dma_wait3A_163] : memref<2x4096xf32, #tpu.memory_space<vmem>> -> memref<1x4096xf32, #tpu.memory_space<vmem>>
        %dma_wait3A_165 = tpu.memref_squeeze %dma_wait3A_164 : memref<1x4096xf32, #tpu.memory_space<vmem>> -> memref<4096xf32, #tpu.memory_space<vmem>>
        %dma_wait3A_166 = arith.constant 0 : i32
        %dma_wait3A_167 = tpu.memref_slice %arg4[%mul3A_2, %dma_wait3A_166] : memref<832x16384xf32, #tpu.memory_space<hbm>> -> memref<1x4096xf32, #tpu.memory_space<hbm>>
        %dma_wait3A_168 = tpu.memref_squeeze %dma_wait3A_167 : memref<1x4096xf32, #tpu.memory_space<hbm>> -> memref<4096xf32, #tpu.memory_space<hbm>>
        tpu.wait_dma2 semaphore(%arg8 : memref<!tpu.dma_semaphore, #tpu.memory_space<semaphore_mem>>) src(%dma_wait3A_168 : memref<4096xf32, #tpu.memory_space<hbm>>) dst(%dma_wait3A_165 : memref<4096xf32, #tpu.memory_space<vmem>>)
      } else {
      }
      %parallel_loop3A_115 = arith.constant 0 : i32
      %parallel_loop3A_116 = arith.constant 4096 : i32
      %parallel_loop3A_117 = arith.constant 16 : i32
      scf.for %parallel_loop3A_156 = %parallel_loop3A_115 to %parallel_loop3A_116 step %parallel_loop3A_117  : i32 {
        %parallel_loop3A_157 = arith.constant 8192 : i32
        %parallel_loop3A_158 = arith.addi %parallel_loop3A_157, %parallel_loop3A_156 : i32
        %parallel_loop3A_159 = arith.index_cast %parallel_loop3A_158 : i32 to index
        %parallel_loop3A_160 = tpu.vector_load %arg6[%parallel_loop3A_159] {strides = array<i32>} : memref<16384xi32, #tpu.memory_space<vmem>>, vector<16xi32>,
        %parallel_loop3A_161 = tpu.vector_load_idx %arg5[%parallel_loop3A_160] : memref<100000xf32, #tpu.memory_space<vmem>>[vector<16xi32>], vector<16xf32>,
        %parallel_loop3A_162 = arith.constant 0 : i32
        %parallel_loop3A_163 = arith.index_cast %parallel_loop3A_162 : i32 to index
        %parallel_loop3A_164 = arith.index_cast %parallel_loop3A_156 : i32 to index
        %parallel_loop3A_165 = tpu.vector_load %arg7[%parallel_loop3A_163, %parallel_loop3A_164] {strides = array<i32>} : memref<2x4096xf32, #tpu.memory_space<vmem>>, vector<16xf32>,
        tpu.vector_store %arg7[%parallel_loop3A_163, %parallel_loop3A_164], %parallel_loop3A_161 {strides = array<i32>} : memref<2x4096xf32, #tpu.memory_space<vmem>>, vector<16xf32>,
      } {sc.loop_unroll_factor = 32 : i64, sc.parallel_access}
      %dma_start3A_118 = arith.constant 0 : i32
      %dma_start3A_119 = arith.constant 0 : i32
      %dma_start3A_120 = tpu.memref_slice %arg7[%dma_start3A_118, %dma_start3A_119] : memref<2x4096xf32, #tpu.memory_space<vmem>> -> memref<1x4096xf32, #tpu.memory_space<vmem>>
      %dma_start3A_121 = tpu.memref_squeeze %dma_start3A_120 : memref<1x4096xf32, #tpu.memory_space<vmem>> -> memref<4096xf32, #tpu.memory_space<vmem>>
      %dma_start3A_122 = arith.constant 8192 : i32
      %dma_start3A_123 = tpu.memref_slice %arg4[%add3A_40, %dma_start3A_122] : memref<832x16384xf32, #tpu.memory_space<hbm>> -> memref<1x4096xf32, #tpu.memory_space<hbm>>
      %dma_start3A_124 = tpu.memref_squeeze %dma_start3A_123 : memref<1x4096xf32, #tpu.memory_space<hbm>> -> memref<4096xf32, #tpu.memory_space<hbm>>
      %dma_start3A_125 = arith.constant 8192 : i32
      %dma_start3A_126 = tpu.memref_slice %arg4[%add3A_40, %dma_start3A_125] : memref<832x16384xf32, #tpu.memory_space<hbm>> -> memref<1x4096xf32, #tpu.memory_space<hbm>>
      %dma_start3A_127 = tpu.memref_squeeze %dma_start3A_126 : memref<1x4096xf32, #tpu.memory_space<hbm>> -> memref<4096xf32, #tpu.memory_space<hbm>>
      %dma_start3A_128 = arith.constant 0 : i32
      %dma_start3A_129 = tpu.memref_slice %arg7[%dma_start3A_118, %dma_start3A_128] : memref<2x4096xf32, #tpu.memory_space<vmem>> -> memref<1x4096xf32, #tpu.memory_space<vmem>>
      %dma_start3A_130 = tpu.memref_squeeze %dma_start3A_129 : memref<1x4096xf32, #tpu.memory_space<vmem>> -> memref<4096xf32, #tpu.memory_space<vmem>>
      tpu.enqueue_dma source(%dma_start3A_130 : memref<4096xf32, #tpu.memory_space<vmem>>) target(%dma_start3A_127 : memref<4096xf32, #tpu.memory_space<hbm>>) target_semaphore(%arg8 : memref<!tpu.dma_semaphore, #tpu.memory_space<semaphore_mem>>)
      %mul3A_131 = arith.constant 4 : i32
      %mul3A_132 = arith.muli %add3A_39, %mul3A_131 : i32
      %add3A_133 = arith.constant 3 : i32
      %add3A_134 = arith.addi %mul3A_132, %add3A_133 : i32
      %ge3A_135 = arith.constant 2 : i32
      %ge3A_136 = arith.cmpi sge, %add3A_134, %ge3A_135 : i32
      %convert_element_type3A_137 = arith.extui %ge3A_136 : i1 to i32
      %cond3A_138 = arith.constant 0 : i32
      %cond3A_139 = arith.cmpi ne, %convert_element_type3A_137, %cond3A_138 : i32
      scf.if %cond3A_139 {
        %dma_wait3A_156 = arith.constant 1 : i32
        %dma_wait3A_157 = arith.constant 0 : i32
        %dma_wait3A_158 = tpu.memref_slice %arg7[%dma_wait3A_156, %dma_wait3A_157] : memref<2x4096xf32, #tpu.memory_space<vmem>> -> memref<1x4096xf32, #tpu.memory_space<vmem>>
        %dma_wait3A_159 = tpu.memref_squeeze %dma_wait3A_158 : memref<1x4096xf32, #tpu.memory_space<vmem>> -> memref<4096xf32, #tpu.memory_space<vmem>>
        %dma_wait3A_160 = arith.constant 0 : i32
        %dma_wait3A_161 = tpu.memref_slice %arg4[%mul3A_2, %dma_wait3A_160] : memref<832x16384xf32, #tpu.memory_space<hbm>> -> memref<1x4096xf32, #tpu.memory_space<hbm>>
        %dma_wait3A_162 = tpu.memref_squeeze %dma_wait3A_161 : memref<1x4096xf32, #tpu.memory_space<hbm>> -> memref<4096xf32, #tpu.memory_space<hbm>>
        %dma_wait3A_163 = arith.constant 0 : i32
        %dma_wait3A_164 = tpu.memref_slice %arg7[%dma_wait3A_156, %dma_wait3A_163] : memref<2x4096xf32, #tpu.memory_space<vmem>> -> memref<1x4096xf32, #tpu.memory_space<vmem>>
        %dma_wait3A_165 = tpu.memref_squeeze %dma_wait3A_164 : memref<1x4096xf32, #tpu.memory_space<vmem>> -> memref<4096xf32, #tpu.memory_space<vmem>>
        %dma_wait3A_166 = arith.constant 0 : i32
        %dma_wait3A_167 = tpu.memref_slice %arg4[%mul3A_2, %dma_wait3A_166] : memref<832x16384xf32, #tpu.memory_space<hbm>> -> memref<1x4096xf32, #tpu.memory_space<hbm>>
        %dma_wait3A_168 = tpu.memref_squeeze %dma_wait3A_167 : memref<1x4096xf32, #tpu.memory_space<hbm>> -> memref<4096xf32, #tpu.memory_space<hbm>>
        tpu.wait_dma2 semaphore(%arg9 : memref<!tpu.dma_semaphore, #tpu.memory_space<semaphore_mem>>) src(%dma_wait3A_168 : memref<4096xf32, #tpu.memory_space<hbm>>) dst(%dma_wait3A_165 : memref<4096xf32, #tpu.memory_space<vmem>>)
      } else {
      }
      %parallel_loop3A_140 = arith.constant 0 : i32
      %parallel_loop3A_141 = arith.constant 4096 : i32
      %parallel_loop3A_142 = arith.constant 16 : i32
      scf.for %parallel_loop3A_156 = %parallel_loop3A_140 to %parallel_loop3A_141 step %parallel_loop3A_142  : i32 {
        %parallel_loop3A_157 = arith.constant 12288 : i32
        %parallel_loop3A_158 = arith.addi %parallel_loop3A_157, %parallel_loop3A_156 : i32
        %parallel_loop3A_159 = arith.index_cast %parallel_loop3A_158 : i32 to index
        %parallel_loop3A_160 = tpu.vector_load %arg6[%parallel_loop3A_159] {strides = array<i32>} : memref<16384xi32, #tpu.memory_space<vmem>>, vector<16xi32>,
        %parallel_loop3A_161 = tpu.vector_load_idx %arg5[%parallel_loop3A_160] : memref<100000xf32, #tpu.memory_space<vmem>>[vector<16xi32>], vector<16xf32>,
        %parallel_loop3A_162 = arith.constant 1 : i32
        %parallel_loop3A_163 = arith.index_cast %parallel_loop3A_162 : i32 to index
        %parallel_loop3A_164 = arith.index_cast %parallel_loop3A_156 : i32 to index
        %parallel_loop3A_165 = tpu.vector_load %arg7[%parallel_loop3A_163, %parallel_loop3A_164] {strides = array<i32>} : memref<2x4096xf32, #tpu.memory_space<vmem>>, vector<16xf32>,
        tpu.vector_store %arg7[%parallel_loop3A_163, %parallel_loop3A_164], %parallel_loop3A_161 {strides = array<i32>} : memref<2x4096xf32, #tpu.memory_space<vmem>>, vector<16xf32>,
      } {sc.loop_unroll_factor = 32 : i64, sc.parallel_access}
      %dma_start3A_143 = arith.constant 1 : i32
      %dma_start3A_144 = arith.constant 0 : i32
      %dma_start3A_145 = tpu.memref_slice %arg7[%dma_start3A_143, %dma_start3A_144] : memref<2x4096xf32, #tpu.memory_space<vmem>> -> memref<1x4096xf32, #tpu.memory_space<vmem>>
      %dma_start3A_146 = tpu.memref_squeeze %dma_start3A_145 : memref<1x4096xf32, #tpu.memory_space<vmem>> -> memref<4096xf32, #tpu.memory_space<vmem>>
      %dma_start3A_147 = arith.constant 12288 : i32
      %dma_start3A_148 = tpu.memref_slice %arg4[%add3A_40, %dma_start3A_147] : memref<832x16384xf32, #tpu.memory_space<hbm>> -> memref<1x4096xf32, #tpu.memory_space<hbm>>
      %dma_start3A_149 = tpu.memref_squeeze %dma_start3A_148 : memref<1x4096xf32, #tpu.memory_space<hbm>> -> memref<4096xf32, #tpu.memory_space<hbm>>
      %dma_start3A_150 = arith.constant 12288 : i32
      %dma_start3A_151 = tpu.memref_slice %arg4[%add3A_40, %dma_start3A_150] : memref<832x16384xf32, #tpu.memory_space<hbm>> -> memref<1x4096xf32, #tpu.memory_space<hbm>>
      %dma_start3A_152 = tpu.memref_squeeze %dma_start3A_151 : memref<1x4096xf32, #tpu.memory_space<hbm>> -> memref<4096xf32, #tpu.memory_space<hbm>>
      %dma_start3A_153 = arith.constant 0 : i32
      %dma_start3A_154 = tpu.memref_slice %arg7[%dma_start3A_143, %dma_start3A_153] : memref<2x4096xf32, #tpu.memory_space<vmem>> -> memref<1x4096xf32, #tpu.memory_space<vmem>>
      %dma_start3A_155 = tpu.memref_squeeze %dma_start3A_154 : memref<1x4096xf32, #tpu.memory_space<vmem>> -> memref<4096xf32, #tpu.memory_space<vmem>>
      tpu.enqueue_dma source(%dma_start3A_155 : memref<4096xf32, #tpu.memory_space<vmem>>) target(%dma_start3A_152 : memref<4096xf32, #tpu.memory_space<hbm>>) target_semaphore(%arg9 : memref<!tpu.dma_semaphore, #tpu.memory_space<semaphore_mem>>)
      scf.yield %select_n3A : i32
    }
    %scan3A_8 = arith.constant 26 : i32
    %dma_wait3A = arith.constant 0 : i32
    %dma_wait3A_9 = arith.constant 0 : i32
    %dma_wait3A_10 = tpu.memref_slice %arg7[%dma_wait3A, %dma_wait3A_9] : memref<2x4096xf32, #tpu.memory_space<vmem>> -> memref<1x4096xf32, #tpu.memory_space<vmem>>
    %dma_wait3A_11 = tpu.memref_squeeze %dma_wait3A_10 : memref<1x4096xf32, #tpu.memory_space<vmem>> -> memref<4096xf32, #tpu.memory_space<vmem>>
    %dma_wait3A_12 = arith.constant 0 : i32
    %dma_wait3A_13 = tpu.memref_slice %arg4[%mul3A_2, %dma_wait3A_12] : memref<832x16384xf32, #tpu.memory_space<hbm>> -> memref<1x4096xf32, #tpu.memory_space<hbm>>
    %dma_wait3A_14 = tpu.memref_squeeze %dma_wait3A_13 : memref<1x4096xf32, #tpu.memory_space<hbm>> -> memref<4096xf32, #tpu.memory_space<hbm>>
    %dma_wait3A_15 = arith.constant 0 : i32
    %dma_wait3A_16 = tpu.memref_slice %arg7[%dma_wait3A, %dma_wait3A_15] : memref<2x4096xf32, #tpu.memory_space<vmem>> -> memref<1x4096xf32, #tpu.memory_space<vmem>>
    %dma_wait3A_17 = tpu.memref_squeeze %dma_wait3A_16 : memref<1x4096xf32, #tpu.memory_space<vmem>> -> memref<4096xf32, #tpu.memory_space<vmem>>
    %dma_wait3A_18 = arith.constant 0 : i32
    %dma_wait3A_19 = tpu.memref_slice %arg4[%mul3A_2, %dma_wait3A_18] : memref<832x16384xf32, #tpu.memory_space<hbm>> -> memref<1x4096xf32, #tpu.memory_space<hbm>>
    %dma_wait3A_20 = tpu.memref_squeeze %dma_wait3A_19 : memref<1x4096xf32, #tpu.memory_space<hbm>> -> memref<4096xf32, #tpu.memory_space<hbm>>
    tpu.wait_dma2 semaphore(%arg8 : memref<!tpu.dma_semaphore, #tpu.memory_space<semaphore_mem>>) src(%dma_wait3A_20 : memref<4096xf32, #tpu.memory_space<hbm>>) dst(%dma_wait3A_17 : memref<4096xf32, #tpu.memory_space<vmem>>)
    %dma_wait3A_21 = arith.constant 1 : i32
    %dma_wait3A_22 = arith.constant 0 : i32
    %dma_wait3A_23 = tpu.memref_slice %arg7[%dma_wait3A_21, %dma_wait3A_22] : memref<2x4096xf32, #tpu.memory_space<vmem>> -> memref<1x4096xf32, #tpu.memory_space<vmem>>
    %dma_wait3A_24 = tpu.memref_squeeze %dma_wait3A_23 : memref<1x4096xf32, #tpu.memory_space<vmem>> -> memref<4096xf32, #tpu.memory_space<vmem>>
    %dma_wait3A_25 = arith.constant 0 : i32
    %dma_wait3A_26 = tpu.memref_slice %arg4[%mul3A_2, %dma_wait3A_25] : memref<832x16384xf32, #tpu.memory_space<hbm>> -> memref<1x4096xf32, #tpu.memory_space<hbm>>
    %dma_wait3A_27 = tpu.memref_squeeze %dma_wait3A_26 : memref<1x4096xf32, #tpu.memory_space<hbm>> -> memref<4096xf32, #tpu.memory_space<hbm>>
    %dma_wait3A_28 = arith.constant 0 : i32
    %dma_wait3A_29 = tpu.memref_slice %arg7[%dma_wait3A_21, %dma_wait3A_28] : memref<2x4096xf32, #tpu.memory_space<vmem>> -> memref<1x4096xf32, #tpu.memory_space<vmem>>
    %dma_wait3A_30 = tpu.memref_squeeze %dma_wait3A_29 : memref<1x4096xf32, #tpu.memory_space<vmem>> -> memref<4096xf32, #tpu.memory_space<vmem>>
    %dma_wait3A_31 = arith.constant 0 : i32
    %dma_wait3A_32 = tpu.memref_slice %arg4[%mul3A_2, %dma_wait3A_31] : memref<832x16384xf32, #tpu.memory_space<hbm>> -> memref<1x4096xf32, #tpu.memory_space<hbm>>
    %dma_wait3A_33 = tpu.memref_squeeze %dma_wait3A_32 : memref<1x4096xf32, #tpu.memory_space<hbm>> -> memref<4096xf32, #tpu.memory_space<hbm>>
    tpu.wait_dma2 semaphore(%arg9 : memref<!tpu.dma_semaphore, #tpu.memory_space<semaphore_mem>>) src(%dma_wait3A_33 : memref<4096xf32, #tpu.memory_space<hbm>>) dst(%dma_wait3A_30 : memref<4096xf32, #tpu.memory_space<vmem>>)
    return
  }
}

</mosaic_0001>

<sc_bundles>
// kernel: _sc_row_gather.3.cloned.1.call-start
scs
__scs_entry_jumppad:
0x0: {  	(pc) =	sbr.rel $0x88, $3  }
0x1: {  	(tag) =	ssettag $0x0;
	lr =	simm.s32 $0x1  }
0x2: {  	[smem:$0x3F9F] =	sst lr;
	_ =	strace $0xD0000000  }
0x3: {  	_ = 	snop  }
0x4: {  	_ = 	snop  }
0x5: {  	_ = 	snop  }
0x6: {  	_ = 	snop  }
0x7: {  	_ = 	snop  }
__scs_overlays_trampoline_lowered:
0x8: {  	[smem:$0x3FAE] =	sst s0  }
0x9: {  	[smem:$0x3FAF] =	sst s1  }
0xa: {  	[smem:$0x3FB0] =	sst s2  }
0xb: {  	[smem:$0x3FB1] =	sst s3  }
0xc: {  	[smem:$0x3FB2] =	sst s4  }
0xd: {  	[smem:$0x3FB3] =	sst s5  }
0xe: {  	[smem:$0x3FB4] =	sst s6  }
0xf: {  	[smem:$0x3FB5] =	sst s7  }
0x10: {  	[smem:$0x3FB6] =	sst s8  }
0x11: {  	[smem:$0x3FB7] =	sst s9;
	s0 =	simm.s32 @!p0 $0x0  }
0x12: {  	s1 =	sld [smem:$0x3F9D];
	s0 =	simm.s32 @p0 $0x1  }
0x13: {  	[smem:$0x3FB8] =	sst s0;
	s0 =	simm.s32 @!p1 $0x0  }
0x14: {  	s2 =	sld [smem:$0x3F9C];
	s0 =	simm.s32 @p1 $0x1  }
0x15: {  	[smem:$0x3FB9] =	sst s0;
	s0 =	simm.s32 @!p2 $0x0  }
0x16: {  	s3 =	sld [smem:$0x3FDB];
	s0 =	simm.s32 @p2 $0x1  }
0x17: {  	s4 =	simm.s32 $0x1BF5;
	[smem:$0x3FBB] =	sst s0  }
0x18: {  	s0 =	sld [smem:$0x3F9E];
	_ =	swait.ge [sflag:s4], $0x0  }
0x19: {  	s7 =	sld [smem:$0x3F9F]  }
0x1a: {  	s8 =	sadd.s32 $0xFFFFE003, lr  }
0x1b: {  	s9 =	sadd.s32 $0xFFFFFEF7, lr;
	s5 =	simm.s32 $0xFFFFFFFF;
	p2 =	slt.u32 s8, $0xFFFFF086  }
0x1c: {  	p1 =	slt.u32 s9, $0xF7A;
	s5 =	simm.s32 @!p2 $0x0  }
0x1d: {  	s5 =	simm.s32 @p1 $0x1;
	p0 =	seq.s32 s7, s2  }
0x1e: {  	s7 =	smul.u32 @!p0 $0xF7A, s2;
	p2 =	seq.s32 @!p0 s5, $0x0  }
0x1f: {  	s9 =	smul.u32 $0xF7A, s1;
	s8 =	simm.s32 @!p0 $0x1BF5;
	p2 =	por !p2, p0  }
0x20: {  	[sflag:s8] =	ssyncset.s32 @!p0 $0xFFFFF086;
	s6 =	sadd.s32 @!p0 s3, s7;
	s7 =	simm.s32 @!p0 $0x108  }
0x21: {  	s3 =	sadd.s32 s3, s9;
	s6 =	sadd.s32 @!p0 $0x88, s6;
	s7 =	simm.s32 @p2 $0x1082  }
0x22: {  	[simem:s7], [sflag:s8] =	dma.local @!p0 [hbm:s6], $0xF7A  }
0x23: {  	s9 =	sor.u32 $0xD0000000, s2;
	s6 =	simm.s32 $0x108;
	_ =	swait.ge @!p0 [sflag:s8], $0x0  }
0x24: {  	s3 =	sadd.s32 $0x88, s3;
	s6 =	simm.s32 @!p1 $0x1082;
	[sflag:s4] =	ssyncset.s32 $0xFFFFF086  }
0x25: {  	[simem:s6], [sflag:s4] =	dma.local [hbm:s3], $0xF7A  }
0x26: {  	[smem:$0x3F9F] =	sst s1;
	(tag) =	ssettag s2;
	_ =	strace s9  }
0x27: {  	s1 =	sld [smem:$0x3FAF]  }
0x28: {  	s2 =	sld [smem:$0x3FB0]  }
0x29: {  	s4 =	sld [smem:$0x3FB2]  }
0x2a: {  	p0 =	seq.s32 s5, $0x0;
	s5 =	sld [smem:$0x3FB3]  }
0x2b: {  	s6 =	sld [smem:$0x3FB4]  }
0x2c: {  	s7 =	sld [smem:$0x3FB5]  }
0x2d: {  	s3 =	simm.s32 $0x108;
	s8 =	sld [smem:$0x3FB6]  }
0x2e: {  	s3 =	simm.s32 @!p0 $0x1082;
	s9 =	sld [smem:$0x3FB7]  }
0x2f: {  	lr =	sadd.s32 s0, s3;
	s0 =	sld [smem:$0x3FAE]  }
0x30: {  	s3 =	sld [smem:$0x3FB1]  }
0x31: {  	[smem:$0x3FBA] =	sst s10  }
0x32: {  	s10 =	sld [smem:$0x3FB8];
	_ =	sdelay $0x3  }
0x33: {  	p0 =	seq.s32 s10, $0x1;
	s10 =	sld [smem:$0x3FBA];
	_ =	sdelay $0x3  }
0x34: {  	[smem:$0x3FBA] =	sst s10  }
0x35: {  	s10 =	sld [smem:$0x3FB9];
	_ =	sdelay $0x3  }
0x36: {  	p1 =	seq.s32 s10, $0x1;
	s10 =	sld [smem:$0x3FBA];
	_ =	sdelay $0x3  }
0x37: {  	[smem:$0x3FBA] =	sst s10  }
0x38: {  	s10 =	sld [smem:$0x3FBB]  }
0x39: {  	_ = 	snop;
	(pc) =	sbr.ind lr, $3  }
0x3a: {  	_ = 	snop  }
0x3b: {  	_ = 	snop  }
0x3c: {  	p2 =	seq.s32 s10, $0x1;
	s10 =	sld [smem:$0x3FBA]  }
0x3d: {  	_ =	shalt  }
0x3e: {  	_ =	shalt  }
0x3f: {  	_ =	shalt  }
0x40: {  	_ =	shalt  }
0x41: {  	_ =	shalt  }
0x42: {  	_ =	shalt  }
0x43: {  	_ =	shalt  }
0x44: {  	_ =	shalt  }
0x45: {  	_ =	shalt  }
0x46: {  	_ =	shalt  }
0x47: {  	_ =	shalt  }
0x48: {  	_ =	shalt  }
0x49: {  	_ =	shalt  }
0x4a: {  	_ =	shalt  }
0x4b: {  	_ =	shalt  }
0x4c: {  	_ =	shalt  }
0x4d: {  	_ =	shalt  }
0x4e: {  	_ =	shalt  }
0x4f: {  	_ =	shalt  }
0x50: {  	_ =	shalt  }
0x51: {  	_ =	shalt  }
0x52: {  	_ =	shalt  }
0x53: {  	_ =	shalt  }
0x54: {  	_ =	shalt  }
0x55: {  	_ =	shalt  }
0x56: {  	_ =	shalt  }
0x57: {  	_ =	shalt  }
0x58: {  	_ =	shalt  }
0x59: {  	_ =	shalt  }
0x5a: {  	_ =	shalt  }
0x5b: {  	_ =	shalt  }
0x5c: {  	_ =	shalt  }
0x5d: {  	_ =	shalt  }
0x5e: {  	_ =	shalt  }
0x5f: {  	_ =	shalt  }
0x60: {  	_ =	shalt  }
0x61: {  	_ =	shalt  }
0x62: {  	_ =	shalt  }
0x63: {  	_ =	shalt  }
0x64: {  	_ =	shalt  }
0x65: {  	_ =	shalt  }
0x66: {  	_ =	shalt  }
0x67: {  	_ =	shalt  }
0x68: {  	_ =	shalt  }
0x69: {  	_ =	shalt  }
0x6a: {  	_ =	shalt  }
0x6b: {  	_ =	shalt  }
0x6c: {  	_ =	shalt  }
0x6d: {  	_ =	shalt  }
0x6e: {  	_ =	shalt  }
0x6f: {  	_ =	shalt  }
0x70: {  	_ =	shalt  }
0x71: {  	_ =	shalt  }
0x72: {  	_ =	shalt  }
0x73: {  	_ =	shalt  }
0x74: {  	_ =	shalt  }
0x75: {  	_ =	shalt  }
0x76: {  	_ =	shalt  }
0x77: {  	_ =	shalt  }
0x78: {  	_ =	shalt  }
0x79: {  	_ =	shalt  }
0x7a: {  	_ =	shalt  }
0x7b: {  	_ =	shalt  }
0x7c: {  	_ =	shalt  }
0x7d: {  	_ =	shalt  }
0x7e: {  	_ =	shalt  }
0x7f: {  	_ =	shalt  }
0x80: {  	_ =	shalt  }
0x81: {  	_ =	shalt  }
0x82: {  	_ =	shalt  }
0x83: {  	_ =	shalt  }
0x84: {  	_ =	shalt  }
0x85: {  	_ =	shalt  }
0x86: {  	_ =	shalt  }
0x87: {  	_ =	shalt  }
.Lfunc_end0:
.L_simem_size_0:
called_computation_lowered:
.L_overlay_start_0:
0x88: {  	s2 =	sld [smem:$0x3FD9]  }
0x89: {  	s3 =	sld [smem:$0x3FFE];
	_ =	sdelay $0x1  }
0x8a: {  	s1 =	srdreg.scid  }
0x8b: {  	s0 =	sand.u32 $0x1, s1  }
0x8c: {  	s18 =	sshll.u32 s0, $0xA;
	s2 =	sadd.s32 s3, s2  }
0x8d: {  	s2 =	sadd.s32 s2, s18  }
0x8e: {  	[smem:$0x3FC6] =	sst s2  }
0x8f: {  	_ = 	snop  }
0x90: {  	s2 =	sld [smem:$0x3FC9]  }
0x91: {  	s19 =	sld [smem:$0x3FC8]  }
0x92: {  	s4 =	sld [smem:$0x3FD0];
	(tm) =	ssettm $0x1  }
0x93: {  	s5 =	sld [smem:$0x3FFB];
	_ =	sdelay $0x3  }
0x94: {  	_ =	strace s5  }
0x95: {  	s5 =	sld [smem:$0x3FFC];
	_ =	sdelay $0x3  }
0x96: {  	_ =	strace s5  }
0x97: {  	s5 =	sld [smem:$0x3FFD];
	_ =	sdelay $0x3  }
0x98: {  	_ =	strace s5  }
0x99: {  	_ =	strace $0x8FFFFFFF  }
0x9a: {  	s20 =	sld [smem:$0x3FDB];
	_ =	sdelay $0x1  }
0x9b: {  	s6 =	simm.s32 $_scs_section_size  }
0x9c: {  	s7 =	simm.s32 $_size__tile_overlayer_lowered;
	s8 =	simm.s32 $_tile_overlayer_lowered  }
0x9d: {  	s23 =	simm.s32 $0x1BFF;
	s22 =	sshll.u32 s8, $0x1;
	s5 =	sadd.s32 s6, s20  }
0x9e: {  	s9 =	simm.s32 $0x0;
	s21 =	sshll.u32 s7, $0x1;
	s7 =	sadd.s32 s22, s5  }
0x9f: {  	[timem:s9], [sflag:s23] =	dma.local [hbm:s7], s21  }
0xa0: {  	_ =	swait.ge [sflag:s23], s21  }
0xa1: {  	s6 =	ssub.s32 $0x0, s21;
	[sflag:s23] =	ssyncset.done $0x0  }
0xa2: {  	[sflag:s23] =	ssyncadd.s32 s6;
	_ =	sdelay $0x1  }
0xa3: {  	s24 =	simm.s32 $0x1B8B  }
0xa4: {  	_ =	swait.ge [sflag:s24], $0x1  }
0xa5: {  	[sflag:s24] =	ssyncset.done $0x0  }
0xa6: {  	s25 =	simm.s32 $0x1B8E;
	[sflag:s24] =	ssyncadd.s32 $0xFFFFFFFF  }
0xa7: {  	s26 =	simm.s32 $execute0_lowered;
	[smem:$0x3FD2] =	sst s25  }
0xa8: {  	s6 =	sshll.u32 s26, $0x1;
	_ =	strace $0x80000046;
	[dreg:$0x1] =	wrdreg $0xFFFFFFFF  }
0xa9: {  	s28 =	simm.s32 $_size_execute0_lowered;
	s5 =	sadd.s32 s5, s6;
	[dreg:$0x0] =	wrdreg $0x0  }
0xaa: {  	s6 =	sshll.u32 s28, $0x1;
	[dreg:$0x2] =	wrdreg s5  }
0xab: {  	[dreg:$0x3] =	wrdreg s6  }
0xac: {  	[dreg:$0x4] =	wrdreg $0xC0  }
0xad: {  	_ =	task [dreg:s9], $0x5FFFF  }
0xae: {  	[dreg:$0x1] =	wrdreg $0xFFFFFFFF  }
0xaf: {  	[dreg:$0x0] =	wrdreg $0x60  }
0xb0: {  	[dreg:$0x2] =	wrdreg s2  }
0xb1: {  	[dreg:$0x3] =	wrdreg s19  }
0xb2: {  	[dreg:$0x4] =	wrdreg s4  }
0xb3: {  	[dreg:$0x5] =	wrdreg $0x9  }
0xb4: {  	_ =	task.clear_ibuf [dreg:s9], $0x6FFFF;
	_ =	strace $0x90000046  }
0xb5: {  	s29 =	simm.s32 $0x9;
	_ =	strace $0x80000048  }
0xb6: {  	_ =	swait.ge [sflag:s29], $0x1  }
0xb7: {  	[sflag:s29] =	ssyncadd.s32 $0xFFFFFFFF  }
0xb8: {  	_ =	strace $0x90000048  }
0xb9: {  	_ =	sfence  }
0xba: {  	s30 =	sld [smem:$0x0];
	_ =	sdelay $0x2  }
0xbb: {  	s31 =	sshll.u32 s1, $0xD;
	s1 =	sshrl.u32 s1, $0x2  }
0xbc: {  	s3 =	sand.u32 $0x4000, s31;
	s1 =	sadd.s32 s1, s30  }
0xbd: {  	s0 =	sor.u32 s3, s0;
	s1 =	sshll.u32 s1, $0x11  }
0xbe: {  	s0 =	sor.u32 s1, s0  }
0xbf: {  	s0 =	sadd.s32 $0x8F2B, s0  }
0xc0: {  	[sflag:s0] =	ssyncadd.remote.s32 $0x1  }
0xc1: {  	_ =	sfence.sel $0xFFFF  }
0xc2: {  	[dreg:$0x0] =	wrdreg $0xFFFFFFFF;
	(pc) =	sbr.abs _section_cstart, $3  }
0xc3: {  	[dreg:$0x1] =	wrdreg $0xFFFFFFFF  }
0xc4: {  	_ =	task.clear_ibuf [dreg:s9], $0x2FFFF;
	_ =	strace $0x9FFFFFFF  }
0xc5: {  	(tm) =	ssettm $0x7FFFFFFF  }
tec
execute0_lowered:
.L_overlay_start_1:
0x0: {  	(tag) =	ssettag $0x1  }
0x1: {  	s1 =	rddreg [dreg:$0x0]  }
0x2: {  	s2 =	rddreg [dreg:$0x1]  }
0x3: {  	s4 =	rddreg [dreg:$0x2]  }
0x4: {  	s0 =	rddreg [dreg:$0x3];
	s6 =	srdreg.scid  }
0x5: {  	s5 =	simm.s32 $0x0;
	s3 =	stileid.u32;
	s11 =	simm.s32 $0x80  }
0x6: {  	s12 =	simm.s32 $0x400;
	s13 =	simm.s32 $0x3;
	s14 =	simm.s32 $0x1  }
0x7: {  	s15 =	simm.s32 $0x2;
	s16 =	simm.s32 $0x0;
	s6 =	sand.u32 $0x1, s6  }
0x8: {  	[smem:$0x7FF] =	sst s5;
	s8 =	sshll.u32 s3, $0x1;
	s7 =	ssub.s32 $0x2, s6  }
0x9: {  	_ =	strace $0x80000047;
	s6 =	sor.u32 s6, s8;
	s9 =	sshrl.u32 s7, $0x1  }
0xa: {  	s8 =	sadd.s32 $0x2000, s4;
	s6 =	smul.u32 $0x1A, s6;
	s10 =	ssub.s32 s7, s9  }
0xb: {  	s7 =	sadd.s32 $0x1000, s4;
	s9 =	sadd.s32 $0x3000, s4;
	s10 =	smax.u32 s10, $0x1  }
.LBB2_1:
0xc: {  	s18 =	simm.s32 $0xFFFFFFFF;
	s17 =	simm.s32 $0x0  }
.LBB2_2:
0xd: {  	s20 =	sadd.s32 s6, s17  }
0xe: {  	s19 =	smov.u32 s18;
	s18 =	sshrl.u32 s20, $0x5  }
0xf: {  	p0 =	seq.s32 s18, s19  }
0x10: {  	s19 =	sshll.u32 @!p0 s18, $0x4  }
0x11: {  	s21 =	sshll.u32 @!p0 s18, $0xB;
	s19 =	sand.u32 @!p0 $0x70, s19  }
0x12: {  	s22 =	simm.s32 @!p0 $0x400;
	s21 =	sand.u32 @!p0 $0xFFFC000, s21;
	s19 =	sadd.s32 @!p0 s2, s19  }
0x13: {  	s23 =	simm.s32 @!p0 $0x18700;
	s19 =	sadd.s32 @!p0 s21, s19;
	s21 =	simm.s32 @!p0 $0x80  }
0x14: {  	[tilespmem:s23], [sflag:$0x3] =	stream.strided.gather @!p0 [hbm4b:s19+s21], $0x4000, s22, s21, $0x38;
	[tilespmem:$0x1E700] =	vst v63  }
0x15: {  	s19 =	sshrl.u32 s20, $0x3  }
0x16: {  	s20 =	sshll.u32 s20, $0x7;
	s30 =	smul.u32 $0xC3800, s19  }
0x17: {  	s22 =	simm.s32 @!p0 $0x3;
	s20 =	sand.u32 $0x380, s20  }
0x18: {  	_ =	swait.ge @!p0 [sflag:s22], $0x4000;
	s21 =	sor.u32 s20, s30  }
0x19: {  	[sflag:s22] =	ssyncset.done @!p0 $0x0;
	s21 =	sshrl.u32 s21, $0x3  }
0x1a: {  	[sflag:s22] =	ssyncadd.s32 @!p0 $0xFFFFC000;
	s21 =	sadd.s32 s1, s21  }
0x1b: {  	[tilespmem:s5], [sflag:$0x3] =	stream.strided.gather [hbm4b:s21+s11], $0x18700, s12, s11, $0x38;
	[tilespmem:$0x1E700] =	vst v63  }
0x1c: {  	_ =	swait.ge [sflag:s13], $0x18700  }
0x1d: {  	p0 =	seq.s32 s17, $0x0;
	[sflag:s13] =	ssyncset.done $0x0  }
0x1e: {  	s21 =	simm.s32 @!p0 $0x1;
	[sflag:s13] =	ssyncadd.s32 $0xFFFE7900  }
0x1f: {  	_ =	swait.ge @!p0 [sflag:s21], $0x1000  }
0x20: {  	[sflag:s21] =	ssyncset.done @!p0 $0x0  }
0x21: {  	s31 =	simm.s32 $0x18800;
	[sflag:s21] =	ssyncadd.s32 @!p0 $0xFFFFF000  }
0x22: {  	v0 =	vld [tilespmem:s31+$0xF0]  }
0x23: {  	v1 =	vld [tilespmem:s31+$0xFFFFFF10]  }
0x24: {  	v2 =	vld [tilespmem:s31+$0xFFFFFF20]  }
0x25: {  	v3 =	vld [tilespmem:s31+$0xFFFFFF30]  }
0x26: {  	v4 =	vld [tilespmem:s31+$0xFFFFFF40]  }
0x27: {  	v5 =	vld [tilespmem:s31+$0xFFFFFF50]  }
0x28: {  	v6 =	vld [tilespmem:s31+$0xFFFFFF60]  }
0x29: {  	v7 =	vld [tilespmem:s31+$0xFFFFFF70]  }
0x2a: {  	v8 =	vld [tilespmem:s31+$0xFFFFFF80]  }
0x2b: {  	v9 =	vld [tilespmem:s31+$0xFFFFFF90]  }
0x2c: {  	v10 =	vld [tilespmem:s31+$0xFFFFFFA0]  }
0x2d: {  	v11 =	vld [tilespmem:s31+$0xFFFFFFB0]  }
0x2e: {  	v12 =	vld [tilespmem:s31+$0xFFFFFFC0]  }
0x2f: {  	v13 =	vld [tilespmem:s31+$0xFFFFFFD0]  }
0x30: {  	v14 =	vld [tilespmem:s31+$0xFFFFFFE0]  }
0x31: {  	v15 =	vld [tilespmem:s31+$0xFFFFFFF0]  }
0x32: {  	v16 =	vld [tilespmem:s31+$0x0]  }
0x33: {  	v17 =	vld [tilespmem:s31+$0x10]  }
0x34: {  	v18 =	vld [tilespmem:s31+$0x20]  }
0x35: {  	v19 =	vld [tilespmem:s31+$0x30]  }
0x36: {  	v20 =	vld [tilespmem:s31+$0x40]  }
0x37: {  	v21 =	vld [tilespmem:s31+$0x50]  }
0x38: {  	v22 =	vld [tilespmem:s31+$0x60]  }
0x39: {  	v23 =	vld [tilespmem:s31+$0x70]  }
0x3a: {  	v24 =	vld [tilespmem:s31+$0x80]  }
0x3b: {  	v25 =	vld [tilespmem:s31+$0x90]  }
0x3c: {  	v26 =	vld [tilespmem:s31+$0xA0]  }
0x3d: {  	v27 =	vld [tilespmem:s31+$0xB0]  }
0x3e: {  	v28 =	vld [tilespmem:s31+$0xC0]  }
0x3f: {  	v29 =	vld [tilespmem:s31+$0xD0]  }
0x40: {  	v30 =	vld [tilespmem:s31+$0xE0]  }
0x41: {  	v31 =	vld [tilespmem:s31+$0xFFFFFF00]  }
0x42: {  	v0 =	vld.idx.msk [tilespmem:v0+s5+$0x0], $0xffff  }
0x43: {  	v1 =	vld.idx.msk [tilespmem:v1+s5+$0x0], $0xffff  }
0x44: {  	v2 =	vld.idx.msk [tilespmem:v2+s5+$0x0], $0xffff  }
0x45: {  	v3 =	vld.idx.msk [tilespmem:v3+s5+$0x0], $0xffff  }
0x46: {  	v4 =	vld.idx.msk [tilespmem:v4+s5+$0x0], $0xffff  }
0x47: {  	s21 =	simm.s32 $0x1C900;
	v5 =	vld.idx.msk [tilespmem:v5+s5+$0x0], $0xffff  }
0x48: {  	[tilespmem:s21+$0x170] =	vst v0;
	v0 =	vld.idx.msk [tilespmem:v6+s5+$0x0], $0xffff  }
0x49: {  	[tilespmem:s21+$0xFFFFFE10] =	vst v1;
	v1 =	vld.idx.msk [tilespmem:v7+s5+$0x0], $0xffff  }
0x4a: {  	v6 =	vld.idx.msk [tilespmem:v31+s5+$0x0], $0xffff;
	[tilespmem:s21+$0xFFFFFE20] =	vst v2  }
0x4b: {  	[tilespmem:s21+$0xFFFFFE30] =	vst v3;
	v2 =	vld.idx.msk [tilespmem:v8+s5+$0x0], $0xffff  }
0x4c: {  	[tilespmem:s21+$0xFFFFFE40] =	vst v4;
	v3 =	vld.idx.msk [tilespmem:v9+s5+$0x0], $0xffff  }
0x4d: {  	[tilespmem:s21+$0xFFFFFE50] =	vst v5;
	v4 =	vld.idx.msk [tilespmem:v10+s5+$0x0], $0xffff  }
0x4e: {  	v5 =	vld.idx.msk [tilespmem:v13+s5+$0x0], $0xffff;
	[tilespmem:s21+$0xFFFFFE60] =	vst v0  }
0x4f: {  	v7 =	vld.idx.msk [tilespmem:v24+s5+$0x0], $0xffff;
	[tilespmem:s21+$0xFFFFFE70] =	vst v1  }
0x50: {  	v0 =	vld.idx.msk [tilespmem:v11+s5+$0x0], $0xffff;
	[tilespmem:s21+$0xFFFFFE00] =	vst v6  }
0x51: {  	v1 =	vld.idx.msk [tilespmem:v12+s5+$0x0], $0xffff;
	[tilespmem:s21+$0xFFFFFF00] =	vst v2  }
0x52: {  	v2 =	vld.idx.msk [tilespmem:v14+s5+$0x0], $0xffff;
	[tilespmem:s21+$0xFFFFFF10] =	vst v3  }
0x53: {  	v3 =	vld.idx.msk [tilespmem:v15+s5+$0x0], $0xffff;
	[tilespmem:s21+$0xFFFFFF20] =	vst v4  }
0x54: {  	v4 =	vld.idx.msk [tilespmem:v16+s5+$0x0], $0xffff;
	[tilespmem:s21+$0xFFFFFF50] =	vst v5  }
0x55: {  	v5 =	vld.idx.msk [tilespmem:v19+s5+$0x0], $0xffff;
	[tilespmem:s21+$0x100] =	vst v7  }
0x56: {  	v6 =	vld.idx.msk [tilespmem:v23+s5+$0x0], $0xffff;
	[tilespmem:s21+$0xFFFFFF30] =	vst v0  }
0x57: {  	v0 =	vld.idx.msk [tilespmem:v17+s5+$0x0], $0xffff;
	[tilespmem:s21+$0xFFFFFF40] =	vst v1  }
0x58: {  	v1 =	vld.idx.msk [tilespmem:v18+s5+$0x0], $0xffff;
	[tilespmem:s21+$0xFFFFFF60] =	vst v2  }
0x59: {  	v2 =	vld.idx.msk [tilespmem:v20+s5+$0x0], $0xffff;
	[tilespmem:s21+$0xFFFFFF70] =	vst v3  }
0x5a: {  	v3 =	vld.idx.msk [tilespmem:v21+s5+$0x0], $0xffff;
	[tilespmem:s21+$0x0] =	vst v4  }
0x5b: {  	v4 =	vld.idx.msk [tilespmem:v22+s5+$0x0], $0xffff;
	[tilespmem:s21+$0x30] =	vst v5  }
0x5c: {  	[tilespmem:s21+$0x70] =	vst v6;
	v5 =	vld.idx.msk [tilespmem:v30+s5+$0x0], $0xffff  }
0x5d: {  	[tilespmem:s21+$0x10] =	vst v0;
	v0 =	vld.idx.msk [tilespmem:v25+s5+$0x0], $0xffff  }
0x5e: {  	[tilespmem:s21+$0x20] =	vst v1;
	v1 =	vld.idx.msk [tilespmem:v26+s5+$0x0], $0xffff  }
0x5f: {  	[tilespmem:s21+$0x40] =	vst v2;
	v2 =	vld.idx.msk [tilespmem:v27+s5+$0x0], $0xffff  }
0x60: {  	[tilespmem:s21+$0x50] =	vst v3;
	v3 =	vld.idx.msk [tilespmem:v28+s5+$0x0], $0xffff  }
0x61: {  	s23 =	simm.s32 $0x18A00;
	s22 =	simm.s32 $0x0;
	[tilespmem:s21+$0x60] =	vst v4;
	v4 =	vld.idx.msk [tilespmem:v29+s5+$0x0], $0xffff  }
.LBB2_3:
0x62: {  	v6 =	vld [tilespmem:s23+$0xF0];
	s22 =	sadd.s32 $0x200, s22;
	[tilespmem:s21+$0x110] =	vst v0  }
0x63: {  	v0 =	vld [tilespmem:s23+$0xFFFFFF10];
	p1 =	slt.u32 s22, $0xE00;
	[tilespmem:s21+$0x120] =	vst v1  }
0x64: {  	v1 =	vld [tilespmem:s23+$0xFFFFFF20];
	[tilespmem:s21+$0x130] =	vst v2  }
0x65: {  	v2 =	vld [tilespmem:s23+$0xFFFFFF30];
	[tilespmem:s21+$0x140] =	vst v3  }
0x66: {  	v3 =	vld [tilespmem:s23+$0xFFFFFF40];
	[tilespmem:s21+$0x150] =	vst v4  }
0x67: {  	v4 =	vld [tilespmem:s23+$0xFFFFFF50];
	[tilespmem:s21+$0x160] =	vst v5  }
0x68: {  	v5 =	vld [tilespmem:s23+$0xFFFFFF60]  }
0x69: {  	v7 =	vld [tilespmem:s23+$0xFFFFFF70]  }
0x6a: {  	v6 =	vld.idx.msk [tilespmem:v6+s5+$0x0], $0xffff  }
0x6b: {  	v8 =	vld [tilespmem:s23+$0xFFFFFF80]  }
0x6c: {  	v9 =	vld [tilespmem:s23+$0xFFFFFF90]  }
0x6d: {  	v10 =	vld [tilespmem:s23+$0xFFFFFFA0]  }
0x6e: {  	v11 =	vld [tilespmem:s23+$0xFFFFFFB0]  }
0x6f: {  	s21 =	sadd.s32 $0x400, s21;
	v12 =	vld [tilespmem:s23+$0xFFFFFFC0]  }
0x70: {  	v13 =	vld [tilespmem:s23+$0xFFFFFFD0];
	[tilespmem:s21+$0x170] =	vst v6  }
0x71: {  	v6 =	vld [tilespmem:s23+$0xFFFFFFE0]  }
0x72: {  	v14 =	vld [tilespmem:s23+$0xFFFFFFF0]  }
0x73: {  	v15 =	vld [tilespmem:s23+$0x0]  }
0x74: {  	v16 =	vld [tilespmem:s23+$0x10]  }
0x75: {  	v17 =	vld [tilespmem:s23+$0x20]  }
0x76: {  	v18 =	vld [tilespmem:s23+$0x30]  }
0x77: {  	v19 =	vld [tilespmem:s23+$0x40]  }
0x78: {  	v20 =	vld [tilespmem:s23+$0x50]  }
0x79: {  	v21 =	vld [tilespmem:s23+$0x60]  }
0x7a: {  	v22 =	vld [tilespmem:s23+$0x70]  }
0x7b: {  	v23 =	vld [tilespmem:s23+$0x80]  }
0x7c: {  	v24 =	vld [tilespmem:s23+$0x90]  }
0x7d: {  	v25 =	vld [tilespmem:s23+$0xA0]  }
0x7e: {  	v26 =	vld [tilespmem:s23+$0xB0]  }
0x7f: {  	v27 =	vld [tilespmem:s23+$0xC0]  }
0x80: {  	v28 =	vld [tilespmem:s23+$0xD0]  }
0x81: {  	v29 =	vld [tilespmem:s23+$0xE0]  }
0x82: {  	v30 =	vld [tilespmem:s23+$0xFFFFFF00]  }
0x83: {  	v0 =	vld.idx.msk [tilespmem:v0+s5+$0x0], $0xffff  }
0x84: {  	v1 =	vld.idx.msk [tilespmem:v1+s5+$0x0], $0xffff  }
0x85: {  	v2 =	vld.idx.msk [tilespmem:v2+s5+$0x0], $0xffff  }
0x86: {  	v3 =	vld.idx.msk [tilespmem:v3+s5+$0x0], $0xffff  }
0x87: {  	v4 =	vld.idx.msk [tilespmem:v4+s5+$0x0], $0xffff  }
0x88: {  	v5 =	vld.idx.msk [tilespmem:v5+s5+$0x0], $0xffff  }
0x89: {  	[tilespmem:s21+$0xFFFFFE10] =	vst v0;
	v0 =	vld.idx.msk [tilespmem:v7+s5+$0x0], $0xffff  }
0x8a: {  	v7 =	vld.idx.msk [tilespmem:v30+s5+$0x0], $0xffff;
	[tilespmem:s21+$0xFFFFFE20] =	vst v1  }
0x8b: {  	[tilespmem:s21+$0xFFFFFE30] =	vst v2;
	v1 =	vld.idx.msk [tilespmem:v8+s5+$0x0], $0xffff  }
0x8c: {  	[tilespmem:s21+$0xFFFFFE40] =	vst v3;
	v2 =	vld.idx.msk [tilespmem:v9+s5+$0x0], $0xffff  }
0x8d: {  	[tilespmem:s21+$0xFFFFFE50] =	vst v4;
	v3 =	vld.idx.msk [tilespmem:v10+s5+$0x0], $0xffff  }
0x8e: {  	[tilespmem:s21+$0xFFFFFE60] =	vst v5;
	v4 =	vld.idx.msk [tilespmem:v11+s5+$0x0], $0xffff  }
0x8f: {  	[tilespmem:s21+$0xFFFFFE70] =	vst v0;
	v0 =	vld.idx.msk [tilespmem:v12+s5+$0x0], $0xffff  }
0x90: {  	[tilespmem:s21+$0xFFFFFE00] =	vst v7;
	v5 =	vld.idx.msk [tilespmem:v13+s5+$0x0], $0xffff  }
0x91: {  	[tilespmem:s21+$0xFFFFFF00] =	vst v1;
	v1 =	vld.idx.msk [tilespmem:v6+s5+$0x0], $0xffff  }
0x92: {  	[tilespmem:s21+$0xFFFFFF10] =	vst v2;
	v2 =	vld.idx.msk [tilespmem:v14+s5+$0x0], $0xffff  }
0x93: {  	[tilespmem:s21+$0xFFFFFF20] =	vst v3;
	v3 =	vld.idx.msk [tilespmem:v15+s5+$0x0], $0xffff  }
0x94: {  	[tilespmem:s21+$0xFFFFFF30] =	vst v4;
	v4 =	vld.idx.msk [tilespmem:v16+s5+$0x0], $0xffff  }
0x95: {  	[tilespmem:s21+$0xFFFFFF40] =	vst v0;
	v0 =	vld.idx.msk [tilespmem:v17+s5+$0x0], $0xffff  }
0x96: {  	[tilespmem:s21+$0xFFFFFF50] =	vst v5;
	v5 =	vld.idx.msk [tilespmem:v18+s5+$0x0], $0xffff  }
0x97: {  	[tilespmem:s21+$0xFFFFFF60] =	vst v1;
	v1 =	vld.idx.msk [tilespmem:v19+s5+$0x0], $0xffff  }
0x98: {  	[tilespmem:s21+$0xFFFFFF70] =	vst v2;
	v2 =	vld.idx.msk [tilespmem:v20+s5+$0x0], $0xffff  }
0x99: {  	[tilespmem:s21+$0x0] =	vst v3;
	v3 =	vld.idx.msk [tilespmem:v21+s5+$0x0], $0xffff  }
0x9a: {  	[tilespmem:s21+$0x10] =	vst v4;
	v4 =	vld.idx.msk [tilespmem:v22+s5+$0x0], $0xffff  }
0x9b: {  	[tilespmem:s21+$0x20] =	vst v0;
	v6 =	vld.idx.msk [tilespmem:v23+s5+$0x0], $0xffff  }
0x9c: {  	[tilespmem:s21+$0x30] =	vst v5;
	v0 =	vld.idx.msk [tilespmem:v24+s5+$0x0], $0xffff  }
.Ltmp0:
0x9d: {  	[tilespmem:s21+$0x40] =	vst v1;
	v1 =	vld.idx.msk [tilespmem:v25+s5+$0x0], $0xffff;
	(pc) =	sbr.rel @p1 .LBB2_3-.Ltmp0, $4  }
0x9e: {  	[tilespmem:s21+$0x50] =	vst v2;
	v2 =	vld.idx.msk [tilespmem:v26+s5+$0x0], $0xffff  }
0x9f: {  	[tilespmem:s21+$0x60] =	vst v3;
	v3 =	vld.idx.msk [tilespmem:v27+s5+$0x0], $0xffff  }
0xa0: {  	[tilespmem:s21+$0x70] =	vst v4;
	v4 =	vld.idx.msk [tilespmem:v28+s5+$0x0], $0xffff  }
0xa1: {  	s23 =	sadd.s32 $0x200, s23;
	[tilespmem:s21+$0x100] =	vst v6;
	v5 =	vld.idx.msk [tilespmem:v29+s5+$0x0], $0xffff  }
0xa2: {  	[tilespmem:s21+$0x110] =	vst v0  }
0xa3: {  	[tilespmem:s21+$0x120] =	vst v1;
	s19 =	sshll.u32 s19, $0x11  }
0xa4: {  	[tilespmem:s21+$0x130] =	vst v2;
	s19 =	sor.u32 s20, s19  }
0xa5: {  	[tilespmem:s21+$0x140] =	vst v3;
	s19 =	sshrl.u32 s19, $0x3  }
0xa6: {  	s22 =	simm.s32 $0x1C700;
	[tilespmem:s21+$0x150] =	vst v4;
	s20 =	sadd.s32 s4, s19  }
0xa7: {  	s23 =	simm.s32 $0x1C800;
	[tilespmem:s21+$0x160] =	vst v5;
	s21 =	simm.s32 $0x80;
	s24 =	sadd.s32 $0x0, s20  }
.LBB2_5:
0xa8: {  	[hbm4b:s24+s5] =	stream.linear.scatter [tilespmem:s22], [sflag:$0x1], $0x80, $0x38;
	[tilespmem:$0x1E700] =	vst v63  }
0xa9: {  	s24 =	smov.u32 s21;
	s22 =	smov.u32 s23;
	p1 =	sne.s32 s21, $0xF80  }
.Ltmp1:
0xaa: {  	s21 =	sadd.s32 $0x80, s21;
	(pc) =	sbr.rel @p1 .LBB2_5-.Ltmp1, $2  }
0xab: {  	_ =	sdelay $0x2  }
0xac: {  	s23 =	sadd.s32 $0x100, s23;
	s24 =	sadd.s32 s24, s20  }
0xad: {  	[hbm4b:s24+s5] =	stream.linear.scatter [tilespmem:s22], [sflag:$0x1], $0x80, $0x38;
	[tilespmem:$0x1E700] =	vst v63  }
0xae: {  	s20 =	simm.s32 @!p0 $0x2  }
0xaf: {  	_ =	swait.ge @!p0 [sflag:s20], $0x1000  }
0xb0: {  	[sflag:s20] =	ssyncset.done @!p0 $0x0  }
0xb1: {  	s31 =	simm.s32 $0x198F0;
	[sflag:s20] =	ssyncadd.s32 @!p0 $0xFFFFF000  }
0xb2: {  	v0 =	vld [tilespmem:s31+$0x0]  }
0xb3: {  	v1 =	vld [tilespmem:s31+$0xFFFFFE20]  }
0xb4: {  	v2 =	vld [tilespmem:s31+$0xFFFFFE30]  }
0xb5: {  	v3 =	vld [tilespmem:s31+$0xFFFFFE40]  }
0xb6: {  	v4 =	vld [tilespmem:s31+$0xFFFFFE50]  }
0xb7: {  	v5 =	vld [tilespmem:s31+$0xFFFFFE60]  }
0xb8: {  	v6 =	vld [tilespmem:s31+$0xFFFFFE70]  }
0xb9: {  	v7 =	vld [tilespmem:s31+$0xFFFFFE80]  }
0xba: {  	v8 =	vld [tilespmem:s31+$0xFFFFFE90]  }
0xbb: {  	v9 =	vld [tilespmem:s31+$0xFFFFFEA0]  }
0xbc: {  	v10 =	vld [tilespmem:s31+$0xFFFFFEB0]  }
0xbd: {  	v11 =	vld [tilespmem:s31+$0xFFFFFEC0]  }
0xbe: {  	v12 =	vld [tilespmem:s31+$0xFFFFFED0]  }
0xbf: {  	v13 =	vld [tilespmem:s31+$0xFFFFFEE0]  }
0xc0: {  	v14 =	vld [tilespmem:s31+$0xFFFFFEF0]  }
0xc1: {  	v15 =	vld [tilespmem:s31+$0xFFFFFF00]  }
0xc2: {  	v16 =	vld [tilespmem:s31+$0xFFFFFF10]  }
0xc3: {  	v17 =	vld [tilespmem:s31+$0xFFFFFF20]  }
0xc4: {  	v18 =	vld [tilespmem:s31+$0xFFFFFF30]  }
0xc5: {  	v19 =	vld [tilespmem:s31+$0xFFFFFF40]  }
0xc6: {  	v20 =	vld [tilespmem:s31+$0xFFFFFF50]  }
0xc7: {  	v21 =	vld [tilespmem:s31+$0xFFFFFF60]  }
0xc8: {  	v22 =	vld [tilespmem:s31+$0xFFFFFF70]  }
0xc9: {  	v23 =	vld [tilespmem:s31+$0xFFFFFF80]  }
0xca: {  	v24 =	vld [tilespmem:s31+$0xFFFFFF90]  }
0xcb: {  	v25 =	vld [tilespmem:s31+$0xFFFFFFA0]  }
0xcc: {  	v26 =	vld [tilespmem:s31+$0xFFFFFFB0]  }
0xcd: {  	v27 =	vld [tilespmem:s31+$0xFFFFFFC0]  }
0xce: {  	v28 =	vld [tilespmem:s31+$0xFFFFFFD0]  }
0xcf: {  	v29 =	vld [tilespmem:s31+$0xFFFFFFE0]  }
0xd0: {  	v30 =	vld [tilespmem:s31+$0xFFFFFFF0]  }
0xd1: {  	v31 =	vld [tilespmem:s31+$0xFFFFFE10]  }
0xd2: {  	v0 =	vld.idx.msk [tilespmem:v0+s5+$0x0], $0xffff  }
0xd3: {  	v1 =	vld.idx.msk [tilespmem:v1+s5+$0x0], $0xffff  }
0xd4: {  	v2 =	vld.idx.msk [tilespmem:v2+s5+$0x0], $0xffff  }
0xd5: {  	v3 =	vld.idx.msk [tilespmem:v3+s5+$0x0], $0xffff  }
0xd6: {  	v4 =	vld.idx.msk [tilespmem:v4+s5+$0x0], $0xffff  }
0xd7: {  	s20 =	simm.s32 $0x1C980;
	v5 =	vld.idx.msk [tilespmem:v5+s5+$0x0], $0xffff  }
0xd8: {  	[tilespmem:s20+$0x170] =	vst v0;
	v0 =	vld.idx.msk [tilespmem:v6+s5+$0x0], $0xffff  }
0xd9: {  	[tilespmem:s20+$0xFFFFFE10] =	vst v1;
	v1 =	vld.idx.msk [tilespmem:v7+s5+$0x0], $0xffff  }
0xda: {  	v6 =	vld.idx.msk [tilespmem:v31+s5+$0x0], $0xffff;
	[tilespmem:s20+$0xFFFFFE20] =	vst v2  }
0xdb: {  	[tilespmem:s20+$0xFFFFFE30] =	vst v3;
	v2 =	vld.idx.msk [tilespmem:v8+s5+$0x0], $0xffff  }
0xdc: {  	[tilespmem:s20+$0xFFFFFE40] =	vst v4;
	v3 =	vld.idx.msk [tilespmem:v9+s5+$0x0], $0xffff  }
0xdd: {  	[tilespmem:s20+$0xFFFFFE50] =	vst v5;
	v4 =	vld.idx.msk [tilespmem:v10+s5+$0x0], $0xffff  }
0xde: {  	v5 =	vld.idx.msk [tilespmem:v13+s5+$0x0], $0xffff;
	[tilespmem:s20+$0xFFFFFE60] =	vst v0  }
0xdf: {  	v7 =	vld.idx.msk [tilespmem:v24+s5+$0x0], $0xffff;
	[tilespmem:s20+$0xFFFFFE70] =	vst v1  }
0xe0: {  	v0 =	vld.idx.msk [tilespmem:v11+s5+$0x0], $0xffff;
	[tilespmem:s20+$0xFFFFFE00] =	vst v6  }
0xe1: {  	v1 =	vld.idx.msk [tilespmem:v12+s5+$0x0], $0xffff;
	[tilespmem:s20+$0xFFFFFF00] =	vst v2  }
0xe2: {  	v2 =	vld.idx.msk [tilespmem:v14+s5+$0x0], $0xffff;
	[tilespmem:s20+$0xFFFFFF10] =	vst v3  }
0xe3: {  	v3 =	vld.idx.msk [tilespmem:v15+s5+$0x0], $0xffff;
	[tilespmem:s20+$0xFFFFFF20] =	vst v4  }
0xe4: {  	v4 =	vld.idx.msk [tilespmem:v16+s5+$0x0], $0xffff;
	[tilespmem:s20+$0xFFFFFF50] =	vst v5  }
0xe5: {  	v5 =	vld.idx.msk [tilespmem:v19+s5+$0x0], $0xffff;
	[tilespmem:s20+$0x100] =	vst v7  }
0xe6: {  	v6 =	vld.idx.msk [tilespmem:v23+s5+$0x0], $0xffff;
	[tilespmem:s20+$0xFFFFFF30] =	vst v0  }
0xe7: {  	v0 =	vld.idx.msk [tilespmem:v17+s5+$0x0], $0xffff;
	[tilespmem:s20+$0xFFFFFF40] =	vst v1  }
0xe8: {  	v1 =	vld.idx.msk [tilespmem:v18+s5+$0x0], $0xffff;
	[tilespmem:s20+$0xFFFFFF60] =	vst v2  }
0xe9: {  	v2 =	vld.idx.msk [tilespmem:v20+s5+$0x0], $0xffff;
	[tilespmem:s20+$0xFFFFFF70] =	vst v3  }
0xea: {  	v3 =	vld.idx.msk [tilespmem:v21+s5+$0x0], $0xffff;
	[tilespmem:s20+$0x0] =	vst v4  }
0xeb: {  	v4 =	vld.idx.msk [tilespmem:v22+s5+$0x0], $0xffff;
	[tilespmem:s20+$0x30] =	vst v5  }
0xec: {  	[tilespmem:s20+$0x70] =	vst v6;
	v5 =	vld.idx.msk [tilespmem:v30+s5+$0x0], $0xffff  }
0xed: {  	[tilespmem:s20+$0x10] =	vst v0;
	v0 =	vld.idx.msk [tilespmem:v25+s5+$0x0], $0xffff  }
0xee: {  	[tilespmem:s20+$0x20] =	vst v1;
	v1 =	vld.idx.msk [tilespmem:v26+s5+$0x0], $0xffff  }
0xef: {  	[tilespmem:s20+$0x40] =	vst v2;
	v2 =	vld.idx.msk [tilespmem:v27+s5+$0x0], $0xffff  }
0xf0: {  	[tilespmem:s20+$0x50] =	vst v3;
	v3 =	vld.idx.msk [tilespmem:v28+s5+$0x0], $0xffff  }
0xf1: {  	s21 =	simm.s32 $0x0;
	s22 =	simm.s32 $0x19AF0;
	[tilespmem:s20+$0x60] =	vst v4;
	v4 =	vld.idx.msk [tilespmem:v29+s5+$0x0], $0xffff  }
.LBB2_7:
0xf2: {  	v6 =	vld [tilespmem:s22+$0x0];
	s21 =	sadd.s32 $0x200, s21;
	[tilespmem:s20+$0x110] =	vst v0  }
0xf3: {  	v0 =	vld [tilespmem:s22+$0xFFFFFE20];
	p0 =	slt.u32 s21, $0xE00;
	[tilespmem:s20+$0x120] =	vst v1  }
0xf4: {  	v1 =	vld [tilespmem:s22+$0xFFFFFE30];
	[tilespmem:s20+$0x130] =	vst v2  }
0xf5: {  	v2 =	vld [tilespmem:s22+$0xFFFFFE40];
	[tilespmem:s20+$0x140] =	vst v3  }
0xf6: {  	v3 =	vld [tilespmem:s22+$0xFFFFFE50];
	[tilespmem:s20+$0x150] =	vst v4  }
0xf7: {  	v4 =	vld [tilespmem:s22+$0xFFFFFE60];
	[tilespmem:s20+$0x160] =	vst v5  }
0xf8: {  	v5 =	vld [tilespmem:s22+$0xFFFFFE70]  }
0xf9: {  	v7 =	vld [tilespmem:s22+$0xFFFFFE80]  }
0xfa: {  	v6 =	vld.idx.msk [tilespmem:v6+s5+$0x0], $0xffff  }
0xfb: {  	v8 =	vld [tilespmem:s22+$0xFFFFFE90]  }
0xfc: {  	v9 =	vld [tilespmem:s22+$0xFFFFFEA0]  }
0xfd: {  	v10 =	vld [tilespmem:s22+$0xFFFFFEB0]  }
0xfe: {  	v11 =	vld [tilespmem:s22+$0xFFFFFEC0]  }
0xff: {  	s20 =	sadd.s32 $0x400, s20;
	v12 =	vld [tilespmem:s22+$0xFFFFFED0]  }
0x100: {  	v13 =	vld [tilespmem:s22+$0xFFFFFEE0];
	[tilespmem:s20+$0x170] =	vst v6  }
0x101: {  	v6 =	vld [tilespmem:s22+$0xFFFFFEF0]  }
0x102: {  	v14 =	vld [tilespmem:s22+$0xFFFFFF00]  }
0x103: {  	v15 =	vld [tilespmem:s22+$0xFFFFFF10]  }
0x104: {  	v16 =	vld [tilespmem:s22+$0xFFFFFF20]  }
0x105: {  	v17 =	vld [tilespmem:s22+$0xFFFFFF30]  }
0x106: {  	v18 =	vld [tilespmem:s22+$0xFFFFFF40]  }
0x107: {  	v19 =	vld [tilespmem:s22+$0xFFFFFF50]  }
0x108: {  	v20 =	vld [tilespmem:s22+$0xFFFFFF60]  }
0x109: {  	v21 =	vld [tilespmem:s22+$0xFFFFFF70]  }
0x10a: {  	v22 =	vld [tilespmem:s22+$0xFFFFFF80]  }
0x10b: {  	v23 =	vld [tilespmem:s22+$0xFFFFFF90]  }
0x10c: {  	v24 =	vld [tilespmem:s22+$0xFFFFFFA0]  }
0x10d: {  	v25 =	vld [tilespmem:s22+$0xFFFFFFB0]  }
0x10e: {  	v26 =	vld [tilespmem:s22+$0xFFFFFFC0]  }
0x10f: {  	v27 =	vld [tilespmem:s22+$0xFFFFFFD0]  }
0x110: {  	v28 =	vld [tilespmem:s22+$0xFFFFFFE0]  }
0x111: {  	v29 =	vld [tilespmem:s22+$0xFFFFFFF0]  }
0x112: {  	v30 =	vld [tilespmem:s22+$0xFFFFFE10]  }
0x113: {  	v0 =	vld.idx.msk [tilespmem:v0+s5+$0x0], $0xffff  }
0x114: {  	v1 =	vld.idx.msk [tilespmem:v1+s5+$0x0], $0xffff  }
0x115: {  	v2 =	vld.idx.msk [tilespmem:v2+s5+$0x0], $0xffff  }
0x116: {  	v3 =	vld.idx.msk [tilespmem:v3+s5+$0x0], $0xffff  }
0x117: {  	v4 =	vld.idx.msk [tilespmem:v4+s5+$0x0], $0xffff  }
0x118: {  	v5 =	vld.idx.msk [tilespmem:v5+s5+$0x0], $0xffff  }
0x119: {  	[tilespmem:s20+$0xFFFFFE10] =	vst v0;
	v0 =	vld.idx.msk [tilespmem:v7+s5+$0x0], $0xffff  }
0x11a: {  	v7 =	vld.idx.msk [tilespmem:v30+s5+$0x0], $0xffff;
	[tilespmem:s20+$0xFFFFFE20] =	vst v1  }
0x11b: {  	[tilespmem:s20+$0xFFFFFE30] =	vst v2;
	v1 =	vld.idx.msk [tilespmem:v8+s5+$0x0], $0xffff  }
0x11c: {  	[tilespmem:s20+$0xFFFFFE40] =	vst v3;
	v2 =	vld.idx.msk [tilespmem:v9+s5+$0x0], $0xffff  }
0x11d: {  	[tilespmem:s20+$0xFFFFFE50] =	vst v4;
	v3 =	vld.idx.msk [tilespmem:v10+s5+$0x0], $0xffff  }
0x11e: {  	[tilespmem:s20+$0xFFFFFE60] =	vst v5;
	v4 =	vld.idx.msk [tilespmem:v11+s5+$0x0], $0xffff  }
0x11f: {  	[tilespmem:s20+$0xFFFFFE70] =	vst v0;
	v0 =	vld.idx.msk [tilespmem:v12+s5+$0x0], $0xffff  }
0x120: {  	[tilespmem:s20+$0xFFFFFE00] =	vst v7;
	v5 =	vld.idx.msk [tilespmem:v13+s5+$0x0], $0xffff  }
0x121: {  	[tilespmem:s20+$0xFFFFFF00] =	vst v1;
	v1 =	vld.idx.msk [tilespmem:v6+s5+$0x0], $0xffff  }
0x122: {  	[tilespmem:s20+$0xFFFFFF10] =	vst v2;
	v2 =	vld.idx.msk [tilespmem:v14+s5+$0x0], $0xffff  }
0x123: {  	[tilespmem:s20+$0xFFFFFF20] =	vst v3;
	v3 =	vld.idx.msk [tilespmem:v15+s5+$0x0], $0xffff  }
0x124: {  	[tilespmem:s20+$0xFFFFFF30] =	vst v4;
	v4 =	vld.idx.msk [tilespmem:v16+s5+$0x0], $0xffff  }
0x125: {  	[tilespmem:s20+$0xFFFFFF40] =	vst v0;
	v0 =	vld.idx.msk [tilespmem:v17+s5+$0x0], $0xffff  }
0x126: {  	[tilespmem:s20+$0xFFFFFF50] =	vst v5;
	v5 =	vld.idx.msk [tilespmem:v18+s5+$0x0], $0xffff  }
0x127: {  	[tilespmem:s20+$0xFFFFFF60] =	vst v1;
	v1 =	vld.idx.msk [tilespmem:v19+s5+$0x0], $0xffff  }
0x128: {  	[tilespmem:s20+$0xFFFFFF70] =	vst v2;
	v2 =	vld.idx.msk [tilespmem:v20+s5+$0x0], $0xffff  }
0x129: {  	[tilespmem:s20+$0x0] =	vst v3;
	v3 =	vld.idx.msk [tilespmem:v21+s5+$0x0], $0xffff  }
0x12a: {  	[tilespmem:s20+$0x10] =	vst v4;
	v4 =	vld.idx.msk [tilespmem:v22+s5+$0x0], $0xffff  }
0x12b: {  	[tilespmem:s20+$0x20] =	vst v0;
	v6 =	vld.idx.msk [tilespmem:v23+s5+$0x0], $0xffff  }
0x12c: {  	[tilespmem:s20+$0x30] =	vst v5;
	v0 =	vld.idx.msk [tilespmem:v24+s5+$0x0], $0xffff  }
.Ltmp2:
0x12d: {  	[tilespmem:s20+$0x40] =	vst v1;
	v1 =	vld.idx.msk [tilespmem:v25+s5+$0x0], $0xffff;
	(pc) =	sbr.rel @p0 .LBB2_7-.Ltmp2, $4  }
0x12e: {  	[tilespmem:s20+$0x50] =	vst v2;
	v2 =	vld.idx.msk [tilespmem:v26+s5+$0x0], $0xffff  }
0x12f: {  	[tilespmem:s20+$0x60] =	vst v3;
	v3 =	vld.idx.msk [tilespmem:v27+s5+$0x0], $0xffff  }
0x130: {  	[tilespmem:s20+$0x70] =	vst v4;
	v4 =	vld.idx.msk [tilespmem:v28+s5+$0x0], $0xffff  }
0x131: {  	s22 =	sadd.s32 $0x200, s22;
	[tilespmem:s20+$0x100] =	vst v6;
	v5 =	vld.idx.msk [tilespmem:v29+s5+$0x0], $0xffff  }
0x132: {  	[tilespmem:s20+$0x110] =	vst v0  }
0x133: {  	[tilespmem:s20+$0x120] =	vst v1  }
0x134: {  	[tilespmem:s20+$0x130] =	vst v2  }
0x135: {  	[tilespmem:s20+$0x140] =	vst v3  }
0x136: {  	s21 =	sadd.s32 s19, s7;
	s22 =	simm.s32 $0x1C780;
	[tilespmem:s20+$0x150] =	vst v4  }
0x137: {  	s23 =	simm.s32 $0x1C880;
	s24 =	sadd.s32 $0x0, s21;
	[tilespmem:s20+$0x160] =	vst v5;
	s20 =	simm.s32 $0x80  }
.LBB2_9:
0x138: {  	[hbm4b:s24+s5] =	stream.linear.scatter [tilespmem:s22], [sflag:$0x2], $0x80, $0x38;
	[tilespmem:$0x1E700] =	vst v63  }
0x139: {  	s24 =	smov.u32 s20;
	s22 =	smov.u32 s23;
	p0 =	sne.s32 s20, $0xF80  }
.Ltmp3:
0x13a: {  	s20 =	sadd.s32 $0x80, s20;
	(pc) =	sbr.rel @p0 .LBB2_9-.Ltmp3, $2  }
0x13b: {  	_ =	sdelay $0x2  }
0x13c: {  	s23 =	sadd.s32 $0x100, s23;
	s24 =	sadd.s32 s24, s21  }
0x13d: {  	[hbm4b:s24+s5] =	stream.linear.scatter [tilespmem:s22], [sflag:$0x2], $0x80, $0x38;
	[tilespmem:$0x1E700] =	vst v63  }
0x13e: {  	_ =	swait.ge [sflag:s14], $0x1000  }
0x13f: {  	[sflag:s14] =	ssyncset.done $0x0  }
0x140: {  	s20 =	simm.s32 $0x1A8F0;
	[sflag:s14] =	ssyncadd.s32 $0xFFFFF000  }
0x141: {  	v0 =	vld [tilespmem:s20+$0x0]  }
0x142: {  	v1 =	vld [tilespmem:s20+$0xFFFFFE20]  }
0x143: {  	v2 =	vld [tilespmem:s20+$0xFFFFFE30]  }
0x144: {  	v3 =	vld [tilespmem:s20+$0xFFFFFE40]  }
0x145: {  	v4 =	vld [tilespmem:s20+$0xFFFFFE50]  }
0x146: {  	v5 =	vld [tilespmem:s20+$0xFFFFFE60]  }
0x147: {  	v6 =	vld [tilespmem:s20+$0xFFFFFE70]  }
0x148: {  	v7 =	vld [tilespmem:s20+$0xFFFFFE80]  }
0x149: {  	v8 =	vld [tilespmem:s20+$0xFFFFFE90]  }
0x14a: {  	v9 =	vld [tilespmem:s20+$0xFFFFFEA0]  }
0x14b: {  	v10 =	vld [tilespmem:s20+$0xFFFFFEB0]  }
0x14c: {  	v11 =	vld [tilespmem:s20+$0xFFFFFEC0]  }
0x14d: {  	v12 =	vld [tilespmem:s20+$0xFFFFFED0]  }
0x14e: {  	v13 =	vld [tilespmem:s20+$0xFFFFFEE0]  }
0x14f: {  	v14 =	vld [tilespmem:s20+$0xFFFFFEF0]  }
0x150: {  	v15 =	vld [tilespmem:s20+$0xFFFFFF00]  }
0x151: {  	v16 =	vld [tilespmem:s20+$0xFFFFFF10]  }
0x152: {  	v17 =	vld [tilespmem:s20+$0xFFFFFF20]  }
0x153: {  	v18 =	vld [tilespmem:s20+$0xFFFFFF30]  }
0x154: {  	v19 =	vld [tilespmem:s20+$0xFFFFFF40]  }
0x155: {  	v20 =	vld [tilespmem:s20+$0xFFFFFF50]  }
0x156: {  	v21 =	vld [tilespmem:s20+$0xFFFFFF60]  }
0x157: {  	v22 =	vld [tilespmem:s20+$0xFFFFFF70]  }
0x158: {  	v23 =	vld [tilespmem:s20+$0xFFFFFF80]  }
0x159: {  	v24 =	vld [tilespmem:s20+$0xFFFFFF90]  }
0x15a: {  	v25 =	vld [tilespmem:s20+$0xFFFFFFA0]  }
0x15b: {  	v26 =	vld [tilespmem:s20+$0xFFFFFFB0]  }
0x15c: {  	v27 =	vld [tilespmem:s20+$0xFFFFFFC0]  }
0x15d: {  	v28 =	vld [tilespmem:s20+$0xFFFFFFD0]  }
0x15e: {  	v29 =	vld [tilespmem:s20+$0xFFFFFFE0]  }
0x15f: {  	v30 =	vld [tilespmem:s20+$0xFFFFFFF0]  }
0x160: {  	v31 =	vld [tilespmem:s20+$0xFFFFFE10]  }
0x161: {  	v0 =	vld.idx.msk [tilespmem:v0+s5+$0x0], $0xffff  }
0x162: {  	v1 =	vld.idx.msk [tilespmem:v1+s5+$0x0], $0xffff  }
0x163: {  	v2 =	vld.idx.msk [tilespmem:v2+s5+$0x0], $0xffff  }
0x164: {  	v3 =	vld.idx.msk [tilespmem:v3+s5+$0x0], $0xffff  }
0x165: {  	v4 =	vld.idx.msk [tilespmem:v4+s5+$0x0], $0xffff  }
0x166: {  	s20 =	simm.s32 $0x1C900;
	v5 =	vld.idx.msk [tilespmem:v5+s5+$0x0], $0xffff  }
0x167: {  	[tilespmem:s20+$0x170] =	vst v0;
	v0 =	vld.idx.msk [tilespmem:v6+s5+$0x0], $0xffff  }
0x168: {  	[tilespmem:s20+$0xFFFFFE10] =	vst v1;
	v1 =	vld.idx.msk [tilespmem:v7+s5+$0x0], $0xffff  }
0x169: {  	v6 =	vld.idx.msk [tilespmem:v31+s5+$0x0], $0xffff;
	[tilespmem:s20+$0xFFFFFE20] =	vst v2  }
0x16a: {  	[tilespmem:s20+$0xFFFFFE30] =	vst v3;
	v2 =	vld.idx.msk [tilespmem:v8+s5+$0x0], $0xffff  }
0x16b: {  	[tilespmem:s20+$0xFFFFFE40] =	vst v4;
	v3 =	vld.idx.msk [tilespmem:v9+s5+$0x0], $0xffff  }
0x16c: {  	[tilespmem:s20+$0xFFFFFE50] =	vst v5;
	v4 =	vld.idx.msk [tilespmem:v10+s5+$0x0], $0xffff  }
0x16d: {  	v5 =	vld.idx.msk [tilespmem:v13+s5+$0x0], $0xffff;
	[tilespmem:s20+$0xFFFFFE60] =	vst v0  }
0x16e: {  	v7 =	vld.idx.msk [tilespmem:v24+s5+$0x0], $0xffff;
	[tilespmem:s20+$0xFFFFFE70] =	vst v1  }
0x16f: {  	v0 =	vld.idx.msk [tilespmem:v11+s5+$0x0], $0xffff;
	[tilespmem:s20+$0xFFFFFE00] =	vst v6  }
0x170: {  	v1 =	vld.idx.msk [tilespmem:v12+s5+$0x0], $0xffff;
	[tilespmem:s20+$0xFFFFFF00] =	vst v2  }
0x171: {  	v2 =	vld.idx.msk [tilespmem:v14+s5+$0x0], $0xffff;
	[tilespmem:s20+$0xFFFFFF10] =	vst v3  }
0x172: {  	v3 =	vld.idx.msk [tilespmem:v15+s5+$0x0], $0xffff;
	[tilespmem:s20+$0xFFFFFF20] =	vst v4  }
0x173: {  	v4 =	vld.idx.msk [tilespmem:v16+s5+$0x0], $0xffff;
	[tilespmem:s20+$0xFFFFFF50] =	vst v5  }
0x174: {  	v5 =	vld.idx.msk [tilespmem:v19+s5+$0x0], $0xffff;
	[tilespmem:s20+$0x100] =	vst v7  }
0x175: {  	v6 =	vld.idx.msk [tilespmem:v23+s5+$0x0], $0xffff;
	[tilespmem:s20+$0xFFFFFF30] =	vst v0  }
0x176: {  	v0 =	vld.idx.msk [tilespmem:v17+s5+$0x0], $0xffff;
	[tilespmem:s20+$0xFFFFFF40] =	vst v1  }
0x177: {  	v1 =	vld.idx.msk [tilespmem:v18+s5+$0x0], $0xffff;
	[tilespmem:s20+$0xFFFFFF60] =	vst v2  }
0x178: {  	v2 =	vld.idx.msk [tilespmem:v20+s5+$0x0], $0xffff;
	[tilespmem:s20+$0xFFFFFF70] =	vst v3  }
0x179: {  	v3 =	vld.idx.msk [tilespmem:v21+s5+$0x0], $0xffff;
	[tilespmem:s20+$0x0] =	vst v4  }
0x17a: {  	v4 =	vld.idx.msk [tilespmem:v22+s5+$0x0], $0xffff;
	[tilespmem:s20+$0x30] =	vst v5  }
0x17b: {  	[tilespmem:s20+$0x70] =	vst v6;
	v5 =	vld.idx.msk [tilespmem:v30+s5+$0x0], $0xffff  }
0x17c: {  	[tilespmem:s20+$0x10] =	vst v0;
	v0 =	vld.idx.msk [tilespmem:v25+s5+$0x0], $0xffff  }
0x17d: {  	[tilespmem:s20+$0x20] =	vst v1;
	v1 =	vld.idx.msk [tilespmem:v26+s5+$0x0], $0xffff  }
0x17e: {  	[tilespmem:s20+$0x40] =	vst v2;
	v2 =	vld.idx.msk [tilespmem:v27+s5+$0x0], $0xffff  }
0x17f: {  	[tilespmem:s20+$0x50] =	vst v3;
	v3 =	vld.idx.msk [tilespmem:v28+s5+$0x0], $0xffff  }
0x180: {  	s21 =	simm.s32 $0x0;
	s22 =	simm.s32 $0x1AAF0;
	[tilespmem:s20+$0x60] =	vst v4;
	v4 =	vld.idx.msk [tilespmem:v29+s5+$0x0], $0xffff  }
.LBB2_11:
0x181: {  	v6 =	vld [tilespmem:s22+$0x0];
	s21 =	sadd.s32 $0x200, s21;
	[tilespmem:s20+$0x110] =	vst v0  }
0x182: {  	v0 =	vld [tilespmem:s22+$0xFFFFFE20];
	p0 =	slt.u32 s21, $0xE00;
	[tilespmem:s20+$0x120] =	vst v1  }
0x183: {  	v1 =	vld [tilespmem:s22+$0xFFFFFE30];
	[tilespmem:s20+$0x130] =	vst v2  }
0x184: {  	v2 =	vld [tilespmem:s22+$0xFFFFFE40];
	[tilespmem:s20+$0x140] =	vst v3  }
0x185: {  	v3 =	vld [tilespmem:s22+$0xFFFFFE50];
	[tilespmem:s20+$0x150] =	vst v4  }
0x186: {  	v4 =	vld [tilespmem:s22+$0xFFFFFE60];
	[tilespmem:s20+$0x160] =	vst v5  }
0x187: {  	v5 =	vld [tilespmem:s22+$0xFFFFFE70]  }
0x188: {  	v7 =	vld [tilespmem:s22+$0xFFFFFE80]  }
0x189: {  	v6 =	vld.idx.msk [tilespmem:v6+s5+$0x0], $0xffff  }
0x18a: {  	v8 =	vld [tilespmem:s22+$0xFFFFFE90]  }
0x18b: {  	v9 =	vld [tilespmem:s22+$0xFFFFFEA0]  }
0x18c: {  	v10 =	vld [tilespmem:s22+$0xFFFFFEB0]  }
0x18d: {  	v11 =	vld [tilespmem:s22+$0xFFFFFEC0]  }
0x18e: {  	s20 =	sadd.s32 $0x400, s20;
	v12 =	vld [tilespmem:s22+$0xFFFFFED0]  }
0x18f: {  	v13 =	vld [tilespmem:s22+$0xFFFFFEE0];
	[tilespmem:s20+$0x170] =	vst v6  }
0x190: {  	v6 =	vld [tilespmem:s22+$0xFFFFFEF0]  }
0x191: {  	v14 =	vld [tilespmem:s22+$0xFFFFFF00]  }
0x192: {  	v15 =	vld [tilespmem:s22+$0xFFFFFF10]  }
0x193: {  	v16 =	vld [tilespmem:s22+$0xFFFFFF20]  }
0x194: {  	v17 =	vld [tilespmem:s22+$0xFFFFFF30]  }
0x195: {  	v18 =	vld [tilespmem:s22+$0xFFFFFF40]  }
0x196: {  	v19 =	vld [tilespmem:s22+$0xFFFFFF50]  }
0x197: {  	v20 =	vld [tilespmem:s22+$0xFFFFFF60]  }
0x198: {  	v21 =	vld [tilespmem:s22+$0xFFFFFF70]  }
0x199: {  	v22 =	vld [tilespmem:s22+$0xFFFFFF80]  }
0x19a: {  	v23 =	vld [tilespmem:s22+$0xFFFFFF90]  }
0x19b: {  	v24 =	vld [tilespmem:s22+$0xFFFFFFA0]  }
0x19c: {  	v25 =	vld [tilespmem:s22+$0xFFFFFFB0]  }
0x19d: {  	v26 =	vld [tilespmem:s22+$0xFFFFFFC0]  }
0x19e: {  	v27 =	vld [tilespmem:s22+$0xFFFFFFD0]  }
0x19f: {  	v28 =	vld [tilespmem:s22+$0xFFFFFFE0]  }
0x1a0: {  	v29 =	vld [tilespmem:s22+$0xFFFFFFF0]  }
0x1a1: {  	v30 =	vld [tilespmem:s22+$0xFFFFFE10]  }
0x1a2: {  	v0 =	vld.idx.msk [tilespmem:v0+s5+$0x0], $0xffff  }
0x1a3: {  	v1 =	vld.idx.msk [tilespmem:v1+s5+$0x0], $0xffff  }
0x1a4: {  	v2 =	vld.idx.msk [tilespmem:v2+s5+$0x0], $0xffff  }
0x1a5: {  	v3 =	vld.idx.msk [tilespmem:v3+s5+$0x0], $0xffff  }
0x1a6: {  	v4 =	vld.idx.msk [tilespmem:v4+s5+$0x0], $0xffff  }
0x1a7: {  	v5 =	vld.idx.msk [tilespmem:v5+s5+$0x0], $0xffff  }
0x1a8: {  	[tilespmem:s20+$0xFFFFFE10] =	vst v0;
	v0 =	vld.idx.msk [tilespmem:v7+s5+$0x0], $0xffff  }
0x1a9: {  	v7 =	vld.idx.msk [tilespmem:v30+s5+$0x0], $0xffff;
	[tilespmem:s20+$0xFFFFFE20] =	vst v1  }
0x1aa: {  	[tilespmem:s20+$0xFFFFFE30] =	vst v2;
	v1 =	vld.idx.msk [tilespmem:v8+s5+$0x0], $0xffff  }
0x1ab: {  	[tilespmem:s20+$0xFFFFFE40] =	vst v3;
	v2 =	vld.idx.msk [tilespmem:v9+s5+$0x0], $0xffff  }
0x1ac: {  	[tilespmem:s20+$0xFFFFFE50] =	vst v4;
	v3 =	vld.idx.msk [tilespmem:v10+s5+$0x0], $0xffff  }
0x1ad: {  	[tilespmem:s20+$0xFFFFFE60] =	vst v5;
	v4 =	vld.idx.msk [tilespmem:v11+s5+$0x0], $0xffff  }
0x1ae: {  	[tilespmem:s20+$0xFFFFFE70] =	vst v0;
	v0 =	vld.idx.msk [tilespmem:v12+s5+$0x0], $0xffff  }
0x1af: {  	[tilespmem:s20+$0xFFFFFE00] =	vst v7;
	v5 =	vld.idx.msk [tilespmem:v13+s5+$0x0], $0xffff  }
0x1b0: {  	[tilespmem:s20+$0xFFFFFF00] =	vst v1;
	v1 =	vld.idx.msk [tilespmem:v6+s5+$0x0], $0xffff  }
0x1b1: {  	[tilespmem:s20+$0xFFFFFF10] =	vst v2;
	v2 =	vld.idx.msk [tilespmem:v14+s5+$0x0], $0xffff  }
0x1b2: {  	[tilespmem:s20+$0xFFFFFF20] =	vst v3;
	v3 =	vld.idx.msk [tilespmem:v15+s5+$0x0], $0xffff  }
0x1b3: {  	[tilespmem:s20+$0xFFFFFF30] =	vst v4;
	v4 =	vld.idx.msk [tilespmem:v16+s5+$0x0], $0xffff  }
0x1b4: {  	[tilespmem:s20+$0xFFFFFF40] =	vst v0;
	v0 =	vld.idx.msk [tilespmem:v17+s5+$0x0], $0xffff  }
0x1b5: {  	[tilespmem:s20+$0xFFFFFF50] =	vst v5;
	v5 =	vld.idx.msk [tilespmem:v18+s5+$0x0], $0xffff  }
0x1b6: {  	[tilespmem:s20+$0xFFFFFF60] =	vst v1;
	v1 =	vld.idx.msk [tilespmem:v19+s5+$0x0], $0xffff  }
0x1b7: {  	[tilespmem:s20+$0xFFFFFF70] =	vst v2;
	v2 =	vld.idx.msk [tilespmem:v20+s5+$0x0], $0xffff  }
0x1b8: {  	[tilespmem:s20+$0x0] =	vst v3;
	v3 =	vld.idx.msk [tilespmem:v21+s5+$0x0], $0xffff  }
0x1b9: {  	[tilespmem:s20+$0x10] =	vst v4;
	v4 =	vld.idx.msk [tilespmem:v22+s5+$0x0], $0xffff  }
0x1ba: {  	[tilespmem:s20+$0x20] =	vst v0;
	v6 =	vld.idx.msk [tilespmem:v23+s5+$0x0], $0xffff  }
0x1bb: {  	[tilespmem:s20+$0x30] =	vst v5;
	v0 =	vld.idx.msk [tilespmem:v24+s5+$0x0], $0xffff  }
.Ltmp4:
0x1bc: {  	[tilespmem:s20+$0x40] =	vst v1;
	v1 =	vld.idx.msk [tilespmem:v25+s5+$0x0], $0xffff;
	(pc) =	sbr.rel @p0 .LBB2_11-.Ltmp4, $4  }
0x1bd: {  	[tilespmem:s20+$0x50] =	vst v2;
	v2 =	vld.idx.msk [tilespmem:v26+s5+$0x0], $0xffff  }
0x1be: {  	[tilespmem:s20+$0x60] =	vst v3;
	v3 =	vld.idx.msk [tilespmem:v27+s5+$0x0], $0xffff  }
0x1bf: {  	[tilespmem:s20+$0x70] =	vst v4;
	v4 =	vld.idx.msk [tilespmem:v28+s5+$0x0], $0xffff  }
0x1c0: {  	s22 =	sadd.s32 $0x200, s22;
	[tilespmem:s20+$0x100] =	vst v6;
	v5 =	vld.idx.msk [tilespmem:v29+s5+$0x0], $0xffff  }
0x1c1: {  	[tilespmem:s20+$0x110] =	vst v0  }
0x1c2: {  	[tilespmem:s20+$0x120] =	vst v1  }
0x1c3: {  	[tilespmem:s20+$0x130] =	vst v2  }
0x1c4: {  	[tilespmem:s20+$0x140] =	vst v3  }
0x1c5: {  	s21 =	sadd.s32 s19, s8;
	s22 =	simm.s32 $0x1C700;
	[tilespmem:s20+$0x150] =	vst v4  }
0x1c6: {  	s23 =	simm.s32 $0x1C800;
	s24 =	sadd.s32 $0x0, s21;
	[tilespmem:s20+$0x160] =	vst v5;
	s20 =	simm.s32 $0x80  }
.LBB2_13:
0x1c7: {  	[hbm4b:s24+s5] =	stream.linear.scatter [tilespmem:s22], [sflag:$0x1], $0x80, $0x38;
	[tilespmem:$0x1E700] =	vst v63  }
0x1c8: {  	s24 =	smov.u32 s20;
	s22 =	smov.u32 s23;
	p0 =	sne.s32 s20, $0xF80  }
.Ltmp5:
0x1c9: {  	s20 =	sadd.s32 $0x80, s20;
	(pc) =	sbr.rel @p0 .LBB2_13-.Ltmp5, $2  }
0x1ca: {  	_ =	sdelay $0x2  }
0x1cb: {  	s23 =	sadd.s32 $0x100, s23;
	s24 =	sadd.s32 s24, s21  }
0x1cc: {  	[hbm4b:s24+s5] =	stream.linear.scatter [tilespmem:s22], [sflag:$0x1], $0x80, $0x38;
	[tilespmem:$0x1E700] =	vst v63  }
0x1cd: {  	_ =	swait.ge [sflag:s15], $0x1000  }
0x1ce: {  	[sflag:s15] =	ssyncset.done $0x0  }
0x1cf: {  	s20 =	simm.s32 $0x1B8F0;
	[sflag:s15] =	ssyncadd.s32 $0xFFFFF000  }
0x1d0: {  	v0 =	vld [tilespmem:s20+$0x0]  }
0x1d1: {  	v1 =	vld [tilespmem:s20+$0xFFFFFE20]  }
0x1d2: {  	v2 =	vld [tilespmem:s20+$0xFFFFFE30]  }
0x1d3: {  	v3 =	vld [tilespmem:s20+$0xFFFFFE40]  }
0x1d4: {  	v4 =	vld [tilespmem:s20+$0xFFFFFE50]  }
0x1d5: {  	v5 =	vld [tilespmem:s20+$0xFFFFFE60]  }
0x1d6: {  	v6 =	vld [tilespmem:s20+$0xFFFFFE70]  }
0x1d7: {  	v7 =	vld [tilespmem:s20+$0xFFFFFE80]  }
0x1d8: {  	v8 =	vld [tilespmem:s20+$0xFFFFFE90]  }
0x1d9: {  	v9 =	vld [tilespmem:s20+$0xFFFFFEA0]  }
0x1da: {  	v10 =	vld [tilespmem:s20+$0xFFFFFEB0]  }
0x1db: {  	v11 =	vld [tilespmem:s20+$0xFFFFFEC0]  }
0x1dc: {  	v12 =	vld [tilespmem:s20+$0xFFFFFED0]  }
0x1dd: {  	v13 =	vld [tilespmem:s20+$0xFFFFFEE0]  }
0x1de: {  	v14 =	vld [tilespmem:s20+$0xFFFFFEF0]  }
0x1df: {  	v15 =	vld [tilespmem:s20+$0xFFFFFF00]  }
0x1e0: {  	v16 =	vld [tilespmem:s20+$0xFFFFFF10]  }
0x1e1: {  	v17 =	vld [tilespmem:s20+$0xFFFFFF20]  }
0x1e2: {  	v18 =	vld [tilespmem:s20+$0xFFFFFF30]  }
0x1e3: {  	v19 =	vld [tilespmem:s20+$0xFFFFFF40]  }
0x1e4: {  	v20 =	vld [tilespmem:s20+$0xFFFFFF50]  }
0x1e5: {  	v21 =	vld [tilespmem:s20+$0xFFFFFF60]  }
0x1e6: {  	v22 =	vld [tilespmem:s20+$0xFFFFFF70]  }
0x1e7: {  	v23 =	vld [tilespmem:s20+$0xFFFFFF80]  }
0x1e8: {  	v24 =	vld [tilespmem:s20+$0xFFFFFF90]  }
0x1e9: {  	v25 =	vld [tilespmem:s20+$0xFFFFFFA0]  }
0x1ea: {  	v26 =	vld [tilespmem:s20+$0xFFFFFFB0]  }
0x1eb: {  	v27 =	vld [tilespmem:s20+$0xFFFFFFC0]  }
0x1ec: {  	v28 =	vld [tilespmem:s20+$0xFFFFFFD0]  }
0x1ed: {  	v29 =	vld [tilespmem:s20+$0xFFFFFFE0]  }
0x1ee: {  	v30 =	vld [tilespmem:s20+$0xFFFFFFF0]  }
0x1ef: {  	v31 =	vld [tilespmem:s20+$0xFFFFFE10]  }
0x1f0: {  	v0 =	vld.idx.msk [tilespmem:v0+s5+$0x0], $0xffff  }
0x1f1: {  	v1 =	vld.idx.msk [tilespmem:v1+s5+$0x0], $0xffff  }
0x1f2: {  	v2 =	vld.idx.msk [tilespmem:v2+s5+$0x0], $0xffff  }
0x1f3: {  	v3 =	vld.idx.msk [tilespmem:v3+s5+$0x0], $0xffff  }
0x1f4: {  	v4 =	vld.idx.msk [tilespmem:v4+s5+$0x0], $0xffff  }
0x1f5: {  	s20 =	simm.s32 $0x1C980;
	v5 =	vld.idx.msk [tilespmem:v5+s5+$0x0], $0xffff  }
0x1f6: {  	[tilespmem:s20+$0x170] =	vst v0;
	v0 =	vld.idx.msk [tilespmem:v6+s5+$0x0], $0xffff  }
0x1f7: {  	[tilespmem:s20+$0xFFFFFE10] =	vst v1;
	v1 =	vld.idx.msk [tilespmem:v7+s5+$0x0], $0xffff  }
0x1f8: {  	v6 =	vld.idx.msk [tilespmem:v31+s5+$0x0], $0xffff;
	[tilespmem:s20+$0xFFFFFE20] =	vst v2  }
0x1f9: {  	[tilespmem:s20+$0xFFFFFE30] =	vst v3;
	v2 =	vld.idx.msk [tilespmem:v8+s5+$0x0], $0xffff  }
0x1fa: {  	[tilespmem:s20+$0xFFFFFE40] =	vst v4;
	v3 =	vld.idx.msk [tilespmem:v9+s5+$0x0], $0xffff  }
0x1fb: {  	[tilespmem:s20+$0xFFFFFE50] =	vst v5;
	v4 =	vld.idx.msk [tilespmem:v10+s5+$0x0], $0xffff  }
0x1fc: {  	v5 =	vld.idx.msk [tilespmem:v13+s5+$0x0], $0xffff;
	[tilespmem:s20+$0xFFFFFE60] =	vst v0  }
0x1fd: {  	v7 =	vld.idx.msk [tilespmem:v24+s5+$0x0], $0xffff;
	[tilespmem:s20+$0xFFFFFE70] =	vst v1  }
0x1fe: {  	v0 =	vld.idx.msk [tilespmem:v11+s5+$0x0], $0xffff;
	[tilespmem:s20+$0xFFFFFE00] =	vst v6  }
0x1ff: {  	v1 =	vld.idx.msk [tilespmem:v12+s5+$0x0], $0xffff;
	[tilespmem:s20+$0xFFFFFF00] =	vst v2  }
0x200: {  	v2 =	vld.idx.msk [tilespmem:v14+s5+$0x0], $0xffff;
	[tilespmem:s20+$0xFFFFFF10] =	vst v3  }
0x201: {  	v3 =	vld.idx.msk [tilespmem:v15+s5+$0x0], $0xffff;
	[tilespmem:s20+$0xFFFFFF20] =	vst v4  }
0x202: {  	v4 =	vld.idx.msk [tilespmem:v16+s5+$0x0], $0xffff;
	[tilespmem:s20+$0xFFFFFF50] =	vst v5  }
0x203: {  	v5 =	vld.idx.msk [tilespmem:v19+s5+$0x0], $0xffff;
	[tilespmem:s20+$0x100] =	vst v7  }
0x204: {  	v6 =	vld.idx.msk [tilespmem:v23+s5+$0x0], $0xffff;
	[tilespmem:s20+$0xFFFFFF30] =	vst v0  }
0x205: {  	v0 =	vld.idx.msk [tilespmem:v17+s5+$0x0], $0xffff;
	[tilespmem:s20+$0xFFFFFF40] =	vst v1  }
0x206: {  	v1 =	vld.idx.msk [tilespmem:v18+s5+$0x0], $0xffff;
	[tilespmem:s20+$0xFFFFFF60] =	vst v2  }
0x207: {  	v2 =	vld.idx.msk [tilespmem:v20+s5+$0x0], $0xffff;
	[tilespmem:s20+$0xFFFFFF70] =	vst v3  }
0x208: {  	v3 =	vld.idx.msk [tilespmem:v21+s5+$0x0], $0xffff;
	[tilespmem:s20+$0x0] =	vst v4  }
0x209: {  	v4 =	vld.idx.msk [tilespmem:v22+s5+$0x0], $0xffff;
	[tilespmem:s20+$0x30] =	vst v5  }
0x20a: {  	[tilespmem:s20+$0x70] =	vst v6;
	v5 =	vld.idx.msk [tilespmem:v30+s5+$0x0], $0xffff  }
0x20b: {  	[tilespmem:s20+$0x10] =	vst v0;
	v0 =	vld.idx.msk [tilespmem:v25+s5+$0x0], $0xffff  }
0x20c: {  	[tilespmem:s20+$0x20] =	vst v1;
	v1 =	vld.idx.msk [tilespmem:v26+s5+$0x0], $0xffff  }
0x20d: {  	[tilespmem:s20+$0x40] =	vst v2;
	v2 =	vld.idx.msk [tilespmem:v27+s5+$0x0], $0xffff  }
0x20e: {  	[tilespmem:s20+$0x50] =	vst v3;
	v3 =	vld.idx.msk [tilespmem:v28+s5+$0x0], $0xffff  }
0x20f: {  	s21 =	simm.s32 $0x0;
	s22 =	simm.s32 $0x1BAF0;
	[tilespmem:s20+$0x60] =	vst v4;
	v4 =	vld.idx.msk [tilespmem:v29+s5+$0x0], $0xffff  }
.LBB2_15:
0x210: {  	v6 =	vld [tilespmem:s22+$0x0];
	s21 =	sadd.s32 $0x200, s21;
	[tilespmem:s20+$0x110] =	vst v0  }
0x211: {  	v0 =	vld [tilespmem:s22+$0xFFFFFE20];
	p0 =	slt.u32 s21, $0xE00;
	[tilespmem:s20+$0x120] =	vst v1  }
0x212: {  	v1 =	vld [tilespmem:s22+$0xFFFFFE30];
	[tilespmem:s20+$0x130] =	vst v2  }
0x213: {  	v2 =	vld [tilespmem:s22+$0xFFFFFE40];
	[tilespmem:s20+$0x140] =	vst v3  }
0x214: {  	v3 =	vld [tilespmem:s22+$0xFFFFFE50];
	[tilespmem:s20+$0x150] =	vst v4  }
0x215: {  	v4 =	vld [tilespmem:s22+$0xFFFFFE60];
	[tilespmem:s20+$0x160] =	vst v5  }
0x216: {  	v5 =	vld [tilespmem:s22+$0xFFFFFE70]  }
0x217: {  	v7 =	vld [tilespmem:s22+$0xFFFFFE80]  }
0x218: {  	v6 =	vld.idx.msk [tilespmem:v6+s5+$0x0], $0xffff  }
0x219: {  	v8 =	vld [tilespmem:s22+$0xFFFFFE90]  }
0x21a: {  	v9 =	vld [tilespmem:s22+$0xFFFFFEA0]  }
0x21b: {  	v10 =	vld [tilespmem:s22+$0xFFFFFEB0]  }
0x21c: {  	v11 =	vld [tilespmem:s22+$0xFFFFFEC0]  }
0x21d: {  	s20 =	sadd.s32 $0x400, s20;
	v12 =	vld [tilespmem:s22+$0xFFFFFED0]  }
0x21e: {  	v13 =	vld [tilespmem:s22+$0xFFFFFEE0];
	[tilespmem:s20+$0x170] =	vst v6  }
0x21f: {  	v6 =	vld [tilespmem:s22+$0xFFFFFEF0]  }
0x220: {  	v14 =	vld [tilespmem:s22+$0xFFFFFF00]  }
0x221: {  	v15 =	vld [tilespmem:s22+$0xFFFFFF10]  }
0x222: {  	v16 =	vld [tilespmem:s22+$0xFFFFFF20]  }
0x223: {  	v17 =	vld [tilespmem:s22+$0xFFFFFF30]  }
0x224: {  	v18 =	vld [tilespmem:s22+$0xFFFFFF40]  }
0x225: {  	v19 =	vld [tilespmem:s22+$0xFFFFFF50]  }
0x226: {  	v20 =	vld [tilespmem:s22+$0xFFFFFF60]  }
0x227: {  	v21 =	vld [tilespmem:s22+$0xFFFFFF70]  }
0x228: {  	v22 =	vld [tilespmem:s22+$0xFFFFFF80]  }
0x229: {  	v23 =	vld [tilespmem:s22+$0xFFFFFF90]  }
0x22a: {  	v24 =	vld [tilespmem:s22+$0xFFFFFFA0]  }
0x22b: {  	v25 =	vld [tilespmem:s22+$0xFFFFFFB0]  }
0x22c: {  	v26 =	vld [tilespmem:s22+$0xFFFFFFC0]  }
0x22d: {  	v27 =	vld [tilespmem:s22+$0xFFFFFFD0]  }
0x22e: {  	v28 =	vld [tilespmem:s22+$0xFFFFFFE0]  }
0x22f: {  	v29 =	vld [tilespmem:s22+$0xFFFFFFF0]  }
0x230: {  	v30 =	vld [tilespmem:s22+$0xFFFFFE10]  }
0x231: {  	v0 =	vld.idx.msk [tilespmem:v0+s5+$0x0], $0xffff  }
0x232: {  	v1 =	vld.idx.msk [tilespmem:v1+s5+$0x0], $0xffff  }
0x233: {  	v2 =	vld.idx.msk [tilespmem:v2+s5+$0x0], $0xffff  }
0x234: {  	v3 =	vld.idx.msk [tilespmem:v3+s5+$0x0], $0xffff  }
0x235: {  	v4 =	vld.idx.msk [tilespmem:v4+s5+$0x0], $0xffff  }
0x236: {  	v5 =	vld.idx.msk [tilespmem:v5+s5+$0x0], $0xffff  }
0x237: {  	[tilespmem:s20+$0xFFFFFE10] =	vst v0;
	v0 =	vld.idx.msk [tilespmem:v7+s5+$0x0], $0xffff  }
0x238: {  	v7 =	vld.idx.msk [tilespmem:v30+s5+$0x0], $0xffff;
	[tilespmem:s20+$0xFFFFFE20] =	vst v1  }
0x239: {  	[tilespmem:s20+$0xFFFFFE30] =	vst v2;
	v1 =	vld.idx.msk [tilespmem:v8+s5+$0x0], $0xffff  }
0x23a: {  	[tilespmem:s20+$0xFFFFFE40] =	vst v3;
	v2 =	vld.idx.msk [tilespmem:v9+s5+$0x0], $0xffff  }
0x23b: {  	[tilespmem:s20+$0xFFFFFE50] =	vst v4;
	v3 =	vld.idx.msk [tilespmem:v10+s5+$0x0], $0xffff  }
0x23c: {  	[tilespmem:s20+$0xFFFFFE60] =	vst v5;
	v4 =	vld.idx.msk [tilespmem:v11+s5+$0x0], $0xffff  }
0x23d: {  	[tilespmem:s20+$0xFFFFFE70] =	vst v0;
	v0 =	vld.idx.msk [tilespmem:v12+s5+$0x0], $0xffff  }
0x23e: {  	[tilespmem:s20+$0xFFFFFE00] =	vst v7;
	v5 =	vld.idx.msk [tilespmem:v13+s5+$0x0], $0xffff  }
0x23f: {  	[tilespmem:s20+$0xFFFFFF00] =	vst v1;
	v1 =	vld.idx.msk [tilespmem:v6+s5+$0x0], $0xffff  }
0x240: {  	[tilespmem:s20+$0xFFFFFF10] =	vst v2;
	v2 =	vld.idx.msk [tilespmem:v14+s5+$0x0], $0xffff  }
0x241: {  	[tilespmem:s20+$0xFFFFFF20] =	vst v3;
	v3 =	vld.idx.msk [tilespmem:v15+s5+$0x0], $0xffff  }
0x242: {  	[tilespmem:s20+$0xFFFFFF30] =	vst v4;
	v4 =	vld.idx.msk [tilespmem:v16+s5+$0x0], $0xffff  }
0x243: {  	[tilespmem:s20+$0xFFFFFF40] =	vst v0;
	v0 =	vld.idx.msk [tilespmem:v17+s5+$0x0], $0xffff  }
0x244: {  	[tilespmem:s20+$0xFFFFFF50] =	vst v5;
	v5 =	vld.idx.msk [tilespmem:v18+s5+$0x0], $0xffff  }
0x245: {  	[tilespmem:s20+$0xFFFFFF60] =	vst v1;
	v1 =	vld.idx.msk [tilespmem:v19+s5+$0x0], $0xffff  }
0x246: {  	[tilespmem:s20+$0xFFFFFF70] =	vst v2;
	v2 =	vld.idx.msk [tilespmem:v20+s5+$0x0], $0xffff  }
0x247: {  	[tilespmem:s20+$0x0] =	vst v3;
	v3 =	vld.idx.msk [tilespmem:v21+s5+$0x0], $0xffff  }
0x248: {  	[tilespmem:s20+$0x10] =	vst v4;
	v4 =	vld.idx.msk [tilespmem:v22+s5+$0x0], $0xffff  }
0x249: {  	[tilespmem:s20+$0x20] =	vst v0;
	v6 =	vld.idx.msk [tilespmem:v23+s5+$0x0], $0xffff  }
0x24a: {  	[tilespmem:s20+$0x30] =	vst v5;
	v0 =	vld.idx.msk [tilespmem:v24+s5+$0x0], $0xffff  }
.Ltmp6:
0x24b: {  	[tilespmem:s20+$0x40] =	vst v1;
	v1 =	vld.idx.msk [tilespmem:v25+s5+$0x0], $0xffff;
	(pc) =	sbr.rel @p0 .LBB2_15-.Ltmp6, $4  }
0x24c: {  	[tilespmem:s20+$0x50] =	vst v2;
	v2 =	vld.idx.msk [tilespmem:v26+s5+$0x0], $0xffff  }
0x24d: {  	[tilespmem:s20+$0x60] =	vst v3;
	v3 =	vld.idx.msk [tilespmem:v27+s5+$0x0], $0xffff  }
0x24e: {  	[tilespmem:s20+$0x70] =	vst v4;
	v4 =	vld.idx.msk [tilespmem:v28+s5+$0x0], $0xffff  }
0x24f: {  	s22 =	sadd.s32 $0x200, s22;
	[tilespmem:s20+$0x100] =	vst v6;
	v5 =	vld.idx.msk [tilespmem:v29+s5+$0x0], $0xffff  }
0x250: {  	[tilespmem:s20+$0x110] =	vst v0  }
0x251: {  	[tilespmem:s20+$0x120] =	vst v1  }
0x252: {  	[tilespmem:s20+$0x130] =	vst v2  }
0x253: {  	[tilespmem:s20+$0x140] =	vst v3  }
0x254: {  	s19 =	sadd.s32 s19, s9;
	s21 =	simm.s32 $0x1C780;
	[tilespmem:s20+$0x150] =	vst v4  }
0x255: {  	s22 =	simm.s32 $0x1C880;
	s23 =	sadd.s32 $0x0, s19;
	[tilespmem:s20+$0x160] =	vst v5;
	s20 =	simm.s32 $0x80  }
.LBB2_17:
0x256: {  	[hbm4b:s23+s5] =	stream.linear.scatter [tilespmem:s21], [sflag:$0x2], $0x80, $0x38;
	[tilespmem:$0x1E700] =	vst v63  }
0x257: {  	s23 =	smov.u32 s20;
	s21 =	smov.u32 s22;
	p0 =	sne.s32 s20, $0xF80  }
.Ltmp7:
0x258: {  	s20 =	sadd.s32 $0x80, s20;
	(pc) =	sbr.rel @p0 .LBB2_17-.Ltmp7, $2  }
0x259: {  	_ =	sdelay $0x2  }
0x25a: {  	s22 =	sadd.s32 $0x100, s22;
	s23 =	sadd.s32 s23, s19  }
0x25b: {  	s17 =	sadd.s32 $0x1, s17  }
0x25c: {  	p0 =	sne.s32 s17, $0x1A  }
.Ltmp8:
0x25d: {  	_ = 	snop;
	(pc) =	sbr.rel @p0 .LBB2_2-.Ltmp8, $2  }
0x25e: {  	_ =	sdelay $0x2  }
0x25f: {  	[hbm4b:s23+s5] =	stream.linear.scatter [tilespmem:s21], [sflag:$0x2], $0x80, $0x38;
	[tilespmem:$0x1E700] =	vst v63  }
0x260: {  	s16 =	sadd.s32 $0x1, s16  }
0x261: {  	_ =	swait.ge [sflag:s14], $0x1000;
	p0 =	sne.s32 s16, s10  }
.Ltmp9:
0x262: {  	[sflag:s14] =	ssyncset.done $0x0;
	(pc) =	sbr.rel @p0 .LBB2_1-.Ltmp9, $4  }
0x263: {  	[sflag:s14] =	ssyncadd.s32 $0xFFFFF000  }
0x264: {  	_ =	swait.ge [sflag:s15], $0x1000  }
0x265: {  	[sflag:s15] =	ssyncset.done $0x0  }
0x266: {  	[sflag:s15] =	ssyncadd.s32 $0xFFFFF000  }
0x267: {  	_ =	sfence.sel $0x180000  }
0x268: {  	[bflag:$0x0] =	sbarrier.arrive $0xFFFF  }
0x269: {  	p0 =	sne.s32 s3, $0x0;
	_ =	strace $0x90000047  }
0x26a: {  	s0 =	sadd.s32 @!p0 $0x100000, s0;
	[bflag:$0x2] =	sbarrier.arrive $0xFFFF  }
0x26b: {  	[sflag:s0] =	ssyncadd.tile.s32 @!p0 $0x1;
	_ =	shalt  }
.Lfunc_end2:
_tile_overlayer_lowered:
.L_overlay_start_2:
0x26c: {  	(tag) =	ssettag $0x2  }
0x26d: {  	s0 =	rddreg [dreg:$0x0];
	s2 =	stileid.u32  }
0x26e: {  	s1 =	rddreg [dreg:$0x1];
	p0 =	sne.s32 s2, $0x0  }
0x26f: {  	s3 =	rddreg [dreg:$0x2];
	[bflag:$0x3] =	sbarrier.arrive $0xFFFF;
	s2 =	simm.s32 @!p0 $0x1C03  }
0x270: {  	[timem:s3], [sflag:s2] =	dma.local @!p0 [hbm:s0], s1  }
0x271: {  	s0 =	simm.s32 @!p0 $0x3  }
0x272: {  	_ =	swait.ge @!p0 [sflag:s0], s1  }
0x273: {  	s1 =	ssub.s32 @!p0 $0x0, s1;
	[sflag:s0] =	ssyncset.done @!p0 $0x0  }
0x274: {  	[sflag:s0] =	ssyncadd.s32 @!p0 s1  }
0x275: {  	[bflag:$0x3] =	sbarrier.arrive $0xFFFF  }
0x276: {  	_ =	shalt  }

</sc_bundles>
